<compile_context>
chip_gen: v7x
topology: tpu7x:2x2x1
jax: 0.10.2.dev20260603
libtpu: 0.0.44.dev20260713+nightly
codegen_flags: <defaults>
</compile_context>

<pallas_src>
import functools

import jax
import jax.numpy as jnp
from jax import lax
from jax.experimental import pallas as pl
from jax.experimental.pallas import tpu as pltpu
from jax.experimental.pallas import tpu_sc as plsc

_B, _S, _L, _D = 1024, 50, 20, 64
_N = _B * _S
_NW = 32
_PW = _N // _NW
_C = 32
_J = _PW // _C
_NTOK = _C * _L
_NAUX = _C * 2
_NROW = _NTOK + _NAUX


def _sc_pool_body(idx_hbm, token_table_hbm, aux_table_hbm, out_hbm, idx_v,
                  rows_v, out_v, sem_g0, sem_g1, sem_o0, sem_o1, sem_i0,
                  sem_i1):
    wid = lax.axis_index("s") * 2 + lax.axis_index("c")
    sems = ((sem_g0, sem_o0, sem_i0), (sem_g1, sem_o1, sem_i1))

    def stage(j, p):
        pltpu.async_copy(idx_hbm.at[wid * _J + j], idx_v.at[p], sems[p][2])

    def stage_wait(p):
        pltpu.make_async_copy(idx_hbm.at[0], idx_v.at[p], sems[p][2]).wait()

    def fire(j, p):
        pltpu.async_copy(
            token_table_hbm.at[idx_v.at[p, pl.ds(0, _NTOK)]],
            rows_v.at[pl.ds(p * _NROW, _NTOK)], sems[p][0])
        pltpu.async_copy(
            aux_table_hbm.at[idx_v.at[p, pl.ds(_NTOK, _C)]],
            rows_v.at[pl.ds(p * _NROW + _NTOK, _C)], sems[p][0])
        pltpu.async_copy(
            aux_table_hbm.at[idx_v.at[p, pl.ds(_NTOK + _C, _C)]],
            rows_v.at[pl.ds(p * _NROW + _NTOK + _C, _C)], sems[p][0])

    def drain(p):
        pltpu.make_async_copy(
            token_table_hbm.at[pl.ds(0, _NROW)],
            rows_v.at[pl.ds(p * _NROW, _NROW)], sems[p][0]).wait()

    def wait_out(p):
        pltpu.make_async_copy(
            out_v.at[pl.ds(p * _C, _C)],
            out_hbm.at[pl.ds(wid * _PW, _C)], sems[p][1]).wait()

    stage(0, 0)
    stage_wait(0)
    fire(0, 0)
    stage(1, 1)

    def outer(jj, carry):
        for p in range(2):
            j = jj * 2 + p

            @pl.when(j + 1 < _J)
            def _():
                stage_wait(1 - p)
                fire(j + 1, 1 - p)

            drain(p)

            @pl.when(j + 2 < _J)
            def _():
                stage(j + 2, p)

            @pl.when(j >= 2)
            def _():
                wait_out(p)

            def red(c, carry2):
                for dd in range(_D // 32):
                    sl = pl.ds(dd * 32, 32)
                    acc = rows_v[p * _NROW + c * _L, sl]
                    for l in range(1, _L):
                        acc = acc + rows_v[p * _NROW + c * _L + l, sl]
                    acc = acc * jnp.bfloat16(1.0 / _L)
                    acc = acc + rows_v[p * _NROW + _NTOK + c, sl]
                    acc = acc + rows_v[p * _NROW + _NTOK + _C + c, sl]
                    out_v[p * _C + c, sl] = acc
                return carry2

            lax.fori_loop(0, _C, red, 0)
            pltpu.async_copy(out_v.at[pl.ds(p * _C, _C)],
                             out_hbm.at[pl.ds(wid * _PW + j * _C, _C)],
                             sems[p][1])
        return carry

    lax.fori_loop(0, _J // 2, outer, 0)
    for p in range(2):
        wait_out(p)


_sc_pool = functools.partial(
    pl.kernel,
    out_type=jax.ShapeDtypeStruct((_N, _D), jnp.bfloat16),
    mesh=plsc.VectorSubcoreMesh(core_axis_name="c", subcore_axis_name="s"),
    compiler_params=pltpu.CompilerParams(use_tc_tiling_on_sc=False),
    scratch_types=[
        pltpu.VMEM((2, _NROW), jnp.int32),
        pltpu.VMEM((2 * _NROW, _D), jnp.bfloat16),
        pltpu.VMEM((2 * _C, _D), jnp.bfloat16),
        pltpu.SemaphoreType.DMA,
        pltpu.SemaphoreType.DMA,
        pltpu.SemaphoreType.DMA,
        pltpu.SemaphoreType.DMA,
        pltpu.SemaphoreType.DMA,
        pltpu.SemaphoreType.DMA,
    ],
)(_sc_pool_body)


_RB = 3200


def _ln_mm_body(x_ref, pos_ref, g_ref, bt_ref, w_ref, bias_ref, o_ref):
    x = x_ref[...].astype(jnp.float32)
    x = x + jnp.broadcast_to(
        pos_ref[...][None], (_RB // _S, _S, _D)).reshape(_RB, _D)
    mu = jnp.mean(x, axis=1, keepdims=True)
    xc = x - mu
    var = jnp.mean(xc * xc, axis=1, keepdims=True)
    nrm = xc * lax.rsqrt(var + 1e-5) * g_ref[...] + bt_ref[...]
    res = lax.dot_general(
        nrm, w_ref[...], (((1,), (1,)), ((), ())),
        preferred_element_type=jnp.float32) + bias_ref[...]
    o_ref[...] = res.reshape(_RB // _S, _S, _D)


def _ln_mm(x, pos_mat, gamma, beta, w, bias):
    return pl.pallas_call(
        _ln_mm_body,
        grid=(_N // _RB,),
        in_specs=[
            pl.BlockSpec((_RB, _D), lambda i: (i, 0)),
            pl.BlockSpec((_S, _D), lambda i: (0, 0)),
            pl.BlockSpec((1, _D), lambda i: (0, 0)),
            pl.BlockSpec((1, _D), lambda i: (0, 0)),
            pl.BlockSpec((_D, _D), lambda i: (0, 0)),
            pl.BlockSpec((1, _D), lambda i: (0, 0)),
        ],
        out_specs=pl.BlockSpec((_RB // _S, _S, _D), lambda i: (i, 0, 0)),
        out_shape=jax.ShapeDtypeStruct((_B, _S, _D), jnp.float32),
    )(x, pos_mat, gamma.reshape(1, _D), beta.reshape(1, _D), w,
      bias.reshape(1, _D))


def kernel(token_ids, section, temporality, negated, timestamp_bucket,
           token_table, section_table, temporality_table, negation_table,
           position_table, timestamp_table, ln_gamma, ln_beta, W, b):
    tok_idx = token_ids.reshape(_N // _C, _NTOK).astype(jnp.int32)
    stn_table = (section_table[:, None, None, :]
                 + temporality_table[None, :, None, :]
                 + negation_table[None, None, :, :]).reshape(36, _D)
    aux_table = jnp.concatenate(
        [stn_table, timestamp_table], axis=0).astype(jnp.bfloat16)
    token_table = token_table.astype(jnp.bfloat16)
    stn_idx = ((section.astype(jnp.int32) * 3 + temporality.astype(jnp.int32))
               * 2 + negated.astype(jnp.int32)).reshape(_N // _C, _C)
    ts_idx = (timestamp_bucket.astype(jnp.int32) + 36).reshape(_N // _C, _C)
    idx = jnp.concatenate([tok_idx, stn_idx, ts_idx], axis=1)
    enriched = _sc_pool(idx, token_table, aux_table)
    pos = jnp.minimum(jnp.arange(_S, dtype=jnp.int32), _S - 1)
    pos_mat = jnp.take(position_table, pos, axis=0)
    tokens = _ln_mm(enriched, pos_mat, ln_gamma, ln_beta, W, b)
    padding_mask = jnp.zeros((_B, _S), dtype=bool)
    return tokens, padding_mask

# --- scband reference (transcript-rebuilt; emitter-appended) ---
"""Pipeline reference for scband-med-berttext-expert-17291538334410 (READ-ONLY COPY).

The authoritative reference and input builder live on the scoring server;
editing this copy changes nothing except your own understanding.
"""

import jax, jax.numpy as jnp
import numpy as np

B, S, L, D = 1024, 50, 20, 64
V = 100000
TB = 512
MAX_SENTENCES = 50


def setup_inputs(seed: int = 0) -> dict:
    key = jax.random.key(seed)
    ks = jax.random.split(key, 16)
    token_ids = jax.random.randint(ks[0], (B, S, L), 0, V)
    section = jax.random.randint(ks[1], (B, S), 0, 6)
    temporality = jax.random.randint(ks[2], (B, S), 0, 3)
    negated = jax.random.randint(ks[3], (B, S), 0, 2)
    timestamp_bucket = jax.random.randint(ks[4], (B, S), 0, TB)
    token_table = jax.random.normal(ks[5], (V, D), dtype=jnp.float32) * 0.02
    section_table = jax.random.normal(ks[6], (6, D), dtype=jnp.float32) * 0.02
    temporality_table = jax.random.normal(ks[7], (3, D), dtype=jnp.float32) * 0.02
    negation_table = jax.random.normal(ks[8], (2, D), dtype=jnp.float32) * 0.02
    position_table = jax.random.normal(ks[9], (MAX_SENTENCES, D), dtype=jnp.float32) * 0.02
    timestamp_table = jax.random.normal(ks[10], (TB, D), dtype=jnp.float32) * 0.02
    ln_gamma = jnp.ones((D,), dtype=jnp.float32)
    ln_beta = jnp.zeros((D,), dtype=jnp.float32)
    W = jax.random.normal(ks[11], (D, D), dtype=jnp.float32) * 0.02
    b = jnp.zeros((D,), dtype=jnp.float32)
    return {
        'token_ids': token_ids,
        'section': section,
        'temporality': temporality,
        'negated': negated,
        'timestamp_bucket': timestamp_bucket,
        'token_table': token_table,
        'section_table': section_table,
        'temporality_table': temporality_table,
        'negation_table': negation_table,
        'position_table': position_table,
        'timestamp_table': timestamp_table,
        'ln_gamma': ln_gamma,
        'ln_beta': ln_beta,
        'W': W,
        'b': b,
    }


def reference(token_ids, section, temporality, negated, timestamp_bucket,
              token_table, section_table, temporality_table, negation_table,
              position_table, timestamp_table, ln_gamma, ln_beta, W, b):
    # base = mean over tokens of token embeddings -> [B, S, D]
    base = jnp.take(token_table, token_ids, axis=0).mean(axis=2)
    pos = jnp.minimum(jnp.arange(S), MAX_SENTENCES - 1)
    enriched = (base
                + jnp.take(section_table, section, axis=0)
                + jnp.take(temporality_table, temporality, axis=0)
                + jnp.take(negation_table, negated, axis=0)
                + jnp.take(position_table, pos, axis=0)[None, :, :]
                + jnp.take(timestamp_table, timestamp_bucket, axis=0))
    # LayerNorm
    mean = enriched.mean(axis=-1, keepdims=True)
    var = ((enriched - mean) ** 2).mean(axis=-1, keepdims=True)
    normed = (enriched - mean) / jnp.sqrt(var + 1e-5) * ln_gamma + ln_beta
    # Linear (nn.Linear convention: x @ W.T + b)
    tokens = normed @ W.T + b
    padding_mask = jnp.zeros((B, S), dtype=bool)
    return tokens, padding_mask

if __name__ == "__main__":
    import jax
    _d = setup_inputs()
    print(jax.jit(kernel)(*tuple(_d.values())))

</pallas_src>

<mosaic_0001>
#map = affine_map<(d0, d1) -> (0, 0)>
module attributes {stable_mosaic.version = 14 : i64} {
  func.func @_sc_pool_body(%arg0: i32, %arg1: i32, %arg2: memref<1600x704xi32, #tpu.memory_space<hbm>>, %arg3: memref<100000x64xbf16, #tpu.memory_space<hbm>>, %arg4: memref<548x64xbf16, #tpu.memory_space<hbm>>, %arg5: memref<51200x64xbf16, #tpu.memory_space<hbm>>, %arg6: memref<2x704xi32, #tpu.memory_space<vmem>>, %arg7: memref<1408x64xbf16, #tpu.memory_space<vmem>>, %arg8: memref<64x64xbf16, #tpu.memory_space<vmem>>, %arg9: memref<!tpu.dma_semaphore, #tpu.memory_space<semaphore_mem>>, %arg10: memref<!tpu.dma_semaphore, #tpu.memory_space<semaphore_mem>>, %arg11: memref<!tpu.dma_semaphore, #tpu.memory_space<semaphore_mem>>, %arg12: memref<!tpu.dma_semaphore, #tpu.memory_space<semaphore_mem>>, %arg13: memref<!tpu.dma_semaphore, #tpu.memory_space<semaphore_mem>>, %arg14: memref<!tpu.dma_semaphore, #tpu.memory_space<semaphore_mem>>) attributes {dimension_semantics = [#tpu.dimension_semantics<core_parallel>, #tpu.dimension_semantics<subcore_parallel>], iteration_bounds = array<i64: 2, 16>, scalar_prefetch = 0 : i64, scratch_operands = 9 : i64, tpu.core_type = #tpu.core_type<sc_vector_subcore>, window_params = [{transform_indices = #map}, {transform_indices = #map}, {transform_indices = #map}, {transform_indices = #map}]} {
    %mul3A = arith.constant 2 : i32
    %mul3A_0 = arith.muli %arg1, %mul3A : i32
    %add3A = arith.addi %mul3A_0, %arg0 : i32
    %mul3A_1 = arith.constant 50 : i32
    %mul3A_2 = arith.muli %add3A, %mul3A_1 : i32
    %add3A_3 = arith.constant 0 : i32
    %add3A_4 = arith.addi %mul3A_2, %add3A_3 : i32
    %dma_start3A = arith.constant 0 : i32
    %dma_start3A_5 = arith.constant 0 : i32
    %dma_start3A_6 = tpu.memref_slice %arg6[%dma_start3A, %dma_start3A_5] : memref<2x704xi32, #tpu.memory_space<vmem>> -> memref<1x704xi32, #tpu.memory_space<vmem>>
    %dma_start3A_7 = tpu.memref_squeeze %dma_start3A_6 : memref<1x704xi32, #tpu.memory_space<vmem>> -> memref<704xi32, #tpu.memory_space<vmem>>
    %dma_start3A_8 = arith.constant 0 : i32
    %dma_start3A_9 = tpu.memref_slice %arg2[%add3A_4, %dma_start3A_8] : memref<1600x704xi32, #tpu.memory_space<hbm>> -> memref<1x704xi32, #tpu.memory_space<hbm>>
    %dma_start3A_10 = tpu.memref_squeeze %dma_start3A_9 : memref<1x704xi32, #tpu.memory_space<hbm>> -> memref<704xi32, #tpu.memory_space<hbm>>
    %dma_start3A_11 = arith.constant 0 : i32
    %dma_start3A_12 = tpu.memref_slice %arg6[%dma_start3A, %dma_start3A_11] : memref<2x704xi32, #tpu.memory_space<vmem>> -> memref<1x704xi32, #tpu.memory_space<vmem>>
    %dma_start3A_13 = tpu.memref_squeeze %dma_start3A_12 : memref<1x704xi32, #tpu.memory_space<vmem>> -> memref<704xi32, #tpu.memory_space<vmem>>
    %dma_start3A_14 = arith.constant 0 : i32
    %dma_start3A_15 = tpu.memref_slice %arg2[%add3A_4, %dma_start3A_14] : memref<1600x704xi32, #tpu.memory_space<hbm>> -> memref<1x704xi32, #tpu.memory_space<hbm>>
    %dma_start3A_16 = tpu.memref_squeeze %dma_start3A_15 : memref<1x704xi32, #tpu.memory_space<hbm>> -> memref<704xi32, #tpu.memory_space<hbm>>
    tpu.enqueue_dma source(%dma_start3A_16 : memref<704xi32, #tpu.memory_space<hbm>>) target(%dma_start3A_13 : memref<704xi32, #tpu.memory_space<vmem>>) target_semaphore(%arg13 : memref<!tpu.dma_semaphore, #tpu.memory_space<semaphore_mem>>)
    %dma_wait3A = arith.constant 0 : i32
    %dma_wait3A_17 = arith.constant 0 : i32
    %dma_wait3A_18 = arith.constant 0 : i32
    %dma_wait3A_19 = tpu.memref_slice %arg6[%dma_wait3A_17, %dma_wait3A_18] : memref<2x704xi32, #tpu.memory_space<vmem>> -> memref<1x704xi32, #tpu.memory_space<vmem>>
    %dma_wait3A_20 = tpu.memref_squeeze %dma_wait3A_19 : memref<1x704xi32, #tpu.memory_space<vmem>> -> memref<704xi32, #tpu.memory_space<vmem>>
    %dma_wait3A_21 = arith.constant 0 : i32
    %dma_wait3A_22 = tpu.memref_slice %arg2[%dma_wait3A, %dma_wait3A_21] : memref<1600x704xi32, #tpu.memory_space<hbm>> -> memref<1x704xi32, #tpu.memory_space<hbm>>
    %dma_wait3A_23 = tpu.memref_squeeze %dma_wait3A_22 : memref<1x704xi32, #tpu.memory_space<hbm>> -> memref<704xi32, #tpu.memory_space<hbm>>
    %dma_wait3A_24 = arith.constant 0 : i32
    %dma_wait3A_25 = tpu.memref_slice %arg6[%dma_wait3A_17, %dma_wait3A_24] : memref<2x704xi32, #tpu.memory_space<vmem>> -> memref<1x704xi32, #tpu.memory_space<vmem>>
    %dma_wait3A_26 = tpu.memref_squeeze %dma_wait3A_25 : memref<1x704xi32, #tpu.memory_space<vmem>> -> memref<704xi32, #tpu.memory_space<vmem>>
    %dma_wait3A_27 = arith.constant 0 : i32
    %dma_wait3A_28 = tpu.memref_slice %arg2[%dma_wait3A, %dma_wait3A_27] : memref<1600x704xi32, #tpu.memory_space<hbm>> -> memref<1x704xi32, #tpu.memory_space<hbm>>
    %dma_wait3A_29 = tpu.memref_squeeze %dma_wait3A_28 : memref<1x704xi32, #tpu.memory_space<hbm>> -> memref<704xi32, #tpu.memory_space<hbm>>
    tpu.wait_dma2 semaphore(%arg13 : memref<!tpu.dma_semaphore, #tpu.memory_space<semaphore_mem>>) src(%dma_wait3A_29 : memref<704xi32, #tpu.memory_space<hbm>>) dst(%dma_wait3A_26 : memref<704xi32, #tpu.memory_space<vmem>>)
    %dma_start3A_30 = arith.constant 0 : i32
    %dma_start3A_31 = arith.constant 0 : i32
    %dma_start3A_32 = arith.constant 0 : i32
    %dma_start3A_33 = tpu.memref_slice %arg7[%dma_start3A_31, %dma_start3A_32] : memref<1408x64xbf16, #tpu.memory_space<vmem>> -> memref<640x64xbf16, #tpu.memory_space<vmem>>
    %dma_start3A_34 = arith.constant 0 : i32
    %dma_start3A_35 = tpu.memref_slice %arg6[%dma_start3A_30, %dma_start3A_34] : memref<2x704xi32, #tpu.memory_space<vmem>> -> memref<1x640xi32, #tpu.memory_space<vmem>>
    %dma_start3A_36 = tpu.memref_squeeze %dma_start3A_35 : memref<1x640xi32, #tpu.memory_space<vmem>> -> memref<640xi32, #tpu.memory_space<vmem>>
    %dma_start3A_37 = arith.constant 0 : i32
    %dma_start3A_38 = arith.constant 0 : i32
    %dma_start3A_39 = tpu.memref_slice %arg3[%dma_start3A_37, %dma_start3A_38] : memref<100000x64xbf16, #tpu.memory_space<hbm>> -> memref<100000x64xbf16, #tpu.memory_space<hbm>>
    tpu.enqueue_indirect_dma source(%dma_start3A_39 : memref<100000x64xbf16, #tpu.memory_space<hbm>>) target(%dma_start3A_33 : memref<640x64xbf16, #tpu.memory_space<vmem>>) offsets(%dma_start3A_36 : memref<640xi32, #tpu.memory_space<vmem>>) semaphore(%arg9 : memref<!tpu.dma_semaphore, #tpu.memory_space<semaphore_mem>>)
    %dma_start3A_40 = arith.constant 0 : i32
    %dma_start3A_41 = arith.constant 640 : i32
    %dma_start3A_42 = arith.constant 0 : i32
    %dma_start3A_43 = tpu.memref_slice %arg7[%dma_start3A_41, %dma_start3A_42] : memref<1408x64xbf16, #tpu.memory_space<vmem>> -> memref<32x64xbf16, #tpu.memory_space<vmem>>
    %dma_start3A_44 = arith.constant 640 : i32
    %dma_start3A_45 = tpu.memref_slice %arg6[%dma_start3A_40, %dma_start3A_44] : memref<2x704xi32, #tpu.memory_space<vmem>> -> memref<1x32xi32, #tpu.memory_space<vmem>>
    %dma_start3A_46 = tpu.memref_squeeze %dma_start3A_45 : memref<1x32xi32, #tpu.memory_space<vmem>> -> memref<32xi32, #tpu.memory_space<vmem>>
    %dma_start3A_47 = arith.constant 0 : i32
    %dma_start3A_48 = arith.constant 0 : i32
    %dma_start3A_49 = tpu.memref_slice %arg4[%dma_start3A_47, %dma_start3A_48] : memref<548x64xbf16, #tpu.memory_space<hbm>> -> memref<548x64xbf16, #tpu.memory_space<hbm>>
    tpu.enqueue_indirect_dma source(%dma_start3A_49 : memref<548x64xbf16, #tpu.memory_space<hbm>>) target(%dma_start3A_43 : memref<32x64xbf16, #tpu.memory_space<vmem>>) offsets(%dma_start3A_46 : memref<32xi32, #tpu.memory_space<vmem>>) semaphore(%arg9 : memref<!tpu.dma_semaphore, #tpu.memory_space<semaphore_mem>>)
    %dma_start3A_50 = arith.constant 0 : i32
    %dma_start3A_51 = arith.constant 672 : i32
    %dma_start3A_52 = arith.constant 0 : i32
    %dma_start3A_53 = tpu.memref_slice %arg7[%dma_start3A_51, %dma_start3A_52] : memref<1408x64xbf16, #tpu.memory_space<vmem>> -> memref<32x64xbf16, #tpu.memory_space<vmem>>
    %dma_start3A_54 = arith.constant 672 : i32
    %dma_start3A_55 = tpu.memref_slice %arg6[%dma_start3A_50, %dma_start3A_54] : memref<2x704xi32, #tpu.memory_space<vmem>> -> memref<1x32xi32, #tpu.memory_space<vmem>>
    %dma_start3A_56 = tpu.memref_squeeze %dma_start3A_55 : memref<1x32xi32, #tpu.memory_space<vmem>> -> memref<32xi32, #tpu.memory_space<vmem>>
    %dma_start3A_57 = arith.constant 0 : i32
    %dma_start3A_58 = arith.constant 0 : i32
    %dma_start3A_59 = tpu.memref_slice %arg4[%dma_start3A_57, %dma_start3A_58] : memref<548x64xbf16, #tpu.memory_space<hbm>> -> memref<548x64xbf16, #tpu.memory_space<hbm>>
    tpu.enqueue_indirect_dma source(%dma_start3A_59 : memref<548x64xbf16, #tpu.memory_space<hbm>>) target(%dma_start3A_53 : memref<32x64xbf16, #tpu.memory_space<vmem>>) offsets(%dma_start3A_56 : memref<32xi32, #tpu.memory_space<vmem>>) semaphore(%arg9 : memref<!tpu.dma_semaphore, #tpu.memory_space<semaphore_mem>>)
    %mul3A_60 = arith.constant 50 : i32
    %mul3A_61 = arith.muli %add3A, %mul3A_60 : i32
    %add3A_62 = arith.constant 1 : i32
    %add3A_63 = arith.addi %mul3A_61, %add3A_62 : i32
    %dma_start3A_64 = arith.constant 1 : i32
    %dma_start3A_65 = arith.constant 0 : i32
    %dma_start3A_66 = tpu.memref_slice %arg6[%dma_start3A_64, %dma_start3A_65] : memref<2x704xi32, #tpu.memory_space<vmem>> -> memref<1x704xi32, #tpu.memory_space<vmem>>
    %dma_start3A_67 = tpu.memref_squeeze %dma_start3A_66 : memref<1x704xi32, #tpu.memory_space<vmem>> -> memref<704xi32, #tpu.memory_space<vmem>>
    %dma_start3A_68 = arith.constant 0 : i32
    %dma_start3A_69 = tpu.memref_slice %arg2[%add3A_63, %dma_start3A_68] : memref<1600x704xi32, #tpu.memory_space<hbm>> -> memref<1x704xi32, #tpu.memory_space<hbm>>
    %dma_start3A_70 = tpu.memref_squeeze %dma_start3A_69 : memref<1x704xi32, #tpu.memory_space<hbm>> -> memref<704xi32, #tpu.memory_space<hbm>>
    %dma_start3A_71 = arith.constant 0 : i32
    %dma_start3A_72 = tpu.memref_slice %arg6[%dma_start3A_64, %dma_start3A_71] : memref<2x704xi32, #tpu.memory_space<vmem>> -> memref<1x704xi32, #tpu.memory_space<vmem>>
    %dma_start3A_73 = tpu.memref_squeeze %dma_start3A_72 : memref<1x704xi32, #tpu.memory_space<vmem>> -> memref<704xi32, #tpu.memory_space<vmem>>
    %dma_start3A_74 = arith.constant 0 : i32
    %dma_start3A_75 = tpu.memref_slice %arg2[%add3A_63, %dma_start3A_74] : memref<1600x704xi32, #tpu.memory_space<hbm>> -> memref<1x704xi32, #tpu.memory_space<hbm>>
    %dma_start3A_76 = tpu.memref_squeeze %dma_start3A_75 : memref<1x704xi32, #tpu.memory_space<hbm>> -> memref<704xi32, #tpu.memory_space<hbm>>
    tpu.enqueue_dma source(%dma_start3A_76 : memref<704xi32, #tpu.memory_space<hbm>>) target(%dma_start3A_73 : memref<704xi32, #tpu.memory_space<vmem>>) target_semaphore(%arg14 : memref<!tpu.dma_semaphore, #tpu.memory_space<semaphore_mem>>)
    %scan3A = arith.constant 0 : i32
    %scan3A_77 = arith.constant 0 : i32
    %scan3A_78 = arith.constant 25 : i32
    %scan3A_79 = arith.addi %scan3A_77, %scan3A_78 : i32
    %scan3A_80 = arith.constant 1 : i32
    scf.for %scan3A_106 = %scan3A_77 to %scan3A_79 step %scan3A_80  : i32 {
      %mul3A_107 = arith.constant 2 : i32
      %mul3A_108 = arith.muli %scan3A_106, %mul3A_107 : i32
      %add3A_109 = arith.constant 0 : i32
      %add3A_110 = arith.addi %mul3A_108, %add3A_109 : i32
      %add3A_111 = arith.constant 1 : i32
      %add3A_112 = arith.addi %add3A_110, %add3A_111 : i32
      %lt3A = arith.constant 50 : i32
      %lt3A_113 = arith.cmpi slt, %add3A_112, %lt3A : i32
      %convert_element_type3A = arith.extui %lt3A_113 : i1 to i32
      %cond3A = arith.constant 0 : i32
      %cond3A_114 = arith.cmpi ne, %convert_element_type3A, %cond3A : i32
      scf.if %cond3A_114 {
        %dma_wait3A_215 = arith.constant 0 : i32
        %dma_wait3A_216 = arith.constant 1 : i32
        %dma_wait3A_217 = arith.constant 0 : i32
        %dma_wait3A_218 = tpu.memref_slice %arg6[%dma_wait3A_216, %dma_wait3A_217] : memref<2x704xi32, #tpu.memory_space<vmem>> -> memref<1x704xi32, #tpu.memory_space<vmem>>
        %dma_wait3A_219 = tpu.memref_squeeze %dma_wait3A_218 : memref<1x704xi32, #tpu.memory_space<vmem>> -> memref<704xi32, #tpu.memory_space<vmem>>
        %dma_wait3A_220 = arith.constant 0 : i32
        %dma_wait3A_221 = tpu.memref_slice %arg2[%dma_wait3A_215, %dma_wait3A_220] : memref<1600x704xi32, #tpu.memory_space<hbm>> -> memref<1x704xi32, #tpu.memory_space<hbm>>
        %dma_wait3A_222 = tpu.memref_squeeze %dma_wait3A_221 : memref<1x704xi32, #tpu.memory_space<hbm>> -> memref<704xi32, #tpu.memory_space<hbm>>
        %dma_wait3A_223 = arith.constant 0 : i32
        %dma_wait3A_224 = tpu.memref_slice %arg6[%dma_wait3A_216, %dma_wait3A_223] : memref<2x704xi32, #tpu.memory_space<vmem>> -> memref<1x704xi32, #tpu.memory_space<vmem>>
        %dma_wait3A_225 = tpu.memref_squeeze %dma_wait3A_224 : memref<1x704xi32, #tpu.memory_space<vmem>> -> memref<704xi32, #tpu.memory_space<vmem>>
        %dma_wait3A_226 = arith.constant 0 : i32
        %dma_wait3A_227 = tpu.memref_slice %arg2[%dma_wait3A_215, %dma_wait3A_226] : memref<1600x704xi32, #tpu.memory_space<hbm>> -> memref<1x704xi32, #tpu.memory_space<hbm>>
        %dma_wait3A_228 = tpu.memref_squeeze %dma_wait3A_227 : memref<1x704xi32, #tpu.memory_space<hbm>> -> memref<704xi32, #tpu.memory_space<hbm>>
        tpu.wait_dma2 semaphore(%arg14 : memref<!tpu.dma_semaphore, #tpu.memory_space<semaphore_mem>>) src(%dma_wait3A_228 : memref<704xi32, #tpu.memory_space<hbm>>) dst(%dma_wait3A_225 : memref<704xi32, #tpu.memory_space<vmem>>)
        %add3A_229 = arith.constant 1 : i32
        %add3A_230 = arith.addi %add3A_110, %add3A_229 : i32
        %dma_start3A_231 = arith.constant 1 : i32
        %dma_start3A_232 = arith.constant 704 : i32
        %dma_start3A_233 = arith.constant 0 : i32
        %dma_start3A_234 = tpu.memref_slice %arg7[%dma_start3A_232, %dma_start3A_233] : memref<1408x64xbf16, #tpu.memory_space<vmem>> -> memref<640x64xbf16, #tpu.memory_space<vmem>>
        %dma_start3A_235 = arith.constant 0 : i32
        %dma_start3A_236 = tpu.memref_slice %arg6[%dma_start3A_231, %dma_start3A_235] : memref<2x704xi32, #tpu.memory_space<vmem>> -> memref<1x640xi32, #tpu.memory_space<vmem>>
        %dma_start3A_237 = tpu.memref_squeeze %dma_start3A_236 : memref<1x640xi32, #tpu.memory_space<vmem>> -> memref<640xi32, #tpu.memory_space<vmem>>
        %dma_start3A_238 = arith.constant 0 : i32
        %dma_start3A_239 = arith.constant 0 : i32
        %dma_start3A_240 = tpu.memref_slice %arg3[%dma_start3A_238, %dma_start3A_239] : memref<100000x64xbf16, #tpu.memory_space<hbm>> -> memref<100000x64xbf16, #tpu.memory_space<hbm>>
        tpu.enqueue_indirect_dma source(%dma_start3A_240 : memref<100000x64xbf16, #tpu.memory_space<hbm>>) target(%dma_start3A_234 : memref<640x64xbf16, #tpu.memory_space<vmem>>) offsets(%dma_start3A_237 : memref<640xi32, #tpu.memory_space<vmem>>) semaphore(%arg10 : memref<!tpu.dma_semaphore, #tpu.memory_space<semaphore_mem>>)
        %dma_start3A_241 = arith.constant 1 : i32
        %dma_start3A_242 = arith.constant 1344 : i32
        %dma_start3A_243 = arith.constant 0 : i32
        %dma_start3A_244 = tpu.memref_slice %arg7[%dma_start3A_242, %dma_start3A_243] : memref<1408x64xbf16, #tpu.memory_space<vmem>> -> memref<32x64xbf16, #tpu.memory_space<vmem>>
        %dma_start3A_245 = arith.constant 640 : i32
        %dma_start3A_246 = tpu.memref_slice %arg6[%dma_start3A_241, %dma_start3A_245] : memref<2x704xi32, #tpu.memory_space<vmem>> -> memref<1x32xi32, #tpu.memory_space<vmem>>
        %dma_start3A_247 = tpu.memref_squeeze %dma_start3A_246 : memref<1x32xi32, #tpu.memory_space<vmem>> -> memref<32xi32, #tpu.memory_space<vmem>>
        %dma_start3A_248 = arith.constant 0 : i32
        %dma_start3A_249 = arith.constant 0 : i32
        %dma_start3A_250 = tpu.memref_slice %arg4[%dma_start3A_248, %dma_start3A_249] : memref<548x64xbf16, #tpu.memory_space<hbm>> -> memref<548x64xbf16, #tpu.memory_space<hbm>>
        tpu.enqueue_indirect_dma source(%dma_start3A_250 : memref<548x64xbf16, #tpu.memory_space<hbm>>) target(%dma_start3A_244 : memref<32x64xbf16, #tpu.memory_space<vmem>>) offsets(%dma_start3A_247 : memref<32xi32, #tpu.memory_space<vmem>>) semaphore(%arg10 : memref<!tpu.dma_semaphore, #tpu.memory_space<semaphore_mem>>)
        %dma_start3A_251 = arith.constant 1 : i32
        %dma_start3A_252 = arith.constant 1376 : i32
        %dma_start3A_253 = arith.constant 0 : i32
        %dma_start3A_254 = tpu.memref_slice %arg7[%dma_start3A_252, %dma_start3A_253] : memref<1408x64xbf16, #tpu.memory_space<vmem>> -> memref<32x64xbf16, #tpu.memory_space<vmem>>
        %dma_start3A_255 = arith.constant 672 : i32
        %dma_start3A_256 = tpu.memref_slice %arg6[%dma_start3A_251, %dma_start3A_255] : memref<2x704xi32, #tpu.memory_space<vmem>> -> memref<1x32xi32, #tpu.memory_space<vmem>>
        %dma_start3A_257 = tpu.memref_squeeze %dma_start3A_256 : memref<1x32xi32, #tpu.memory_space<vmem>> -> memref<32xi32, #tpu.memory_space<vmem>>
        %dma_start3A_258 = arith.constant 0 : i32
        %dma_start3A_259 = arith.constant 0 : i32
        %dma_start3A_260 = tpu.memref_slice %arg4[%dma_start3A_258, %dma_start3A_259] : memref<548x64xbf16, #tpu.memory_space<hbm>> -> memref<548x64xbf16, #tpu.memory_space<hbm>>
        tpu.enqueue_indirect_dma source(%dma_start3A_260 : memref<548x64xbf16, #tpu.memory_space<hbm>>) target(%dma_start3A_254 : memref<32x64xbf16, #tpu.memory_space<vmem>>) offsets(%dma_start3A_257 : memref<32xi32, #tpu.memory_space<vmem>>) semaphore(%arg10 : memref<!tpu.dma_semaphore, #tpu.memory_space<semaphore_mem>>)
      } else {
      }
      %dma_wait3A_115 = arith.constant 0 : i32
      %dma_wait3A_116 = arith.constant 0 : i32
      %dma_wait3A_117 = tpu.memref_slice %arg7[%dma_wait3A_115, %dma_wait3A_116] : memref<1408x64xbf16, #tpu.memory_space<vmem>> -> memref<704x64xbf16, #tpu.memory_space<vmem>>
      %dma_wait3A_118 = arith.constant 0 : i32
      %dma_wait3A_119 = arith.constant 0 : i32
      %dma_wait3A_120 = tpu.memref_slice %arg3[%dma_wait3A_118, %dma_wait3A_119] : memref<100000x64xbf16, #tpu.memory_space<hbm>> -> memref<704x64xbf16, #tpu.memory_space<hbm>>
      %dma_wait3A_121 = arith.constant 0 : i32
      %dma_wait3A_122 = arith.constant 0 : i32
      %dma_wait3A_123 = tpu.memref_slice %arg7[%dma_wait3A_121, %dma_wait3A_122] : memref<1408x64xbf16, #tpu.memory_space<vmem>> -> memref<704x64xbf16, #tpu.memory_space<vmem>>
      %dma_wait3A_124 = arith.constant 0 : i32
      %dma_wait3A_125 = arith.constant 0 : i32
      %dma_wait3A_126 = tpu.memref_slice %arg3[%dma_wait3A_124, %dma_wait3A_125] : memref<100000x64xbf16, #tpu.memory_space<hbm>> -> memref<704x64xbf16, #tpu.memory_space<hbm>>
      tpu.wait_dma2 semaphore(%arg9 : memref<!tpu.dma_semaphore, #tpu.memory_space<semaphore_mem>>) src(%dma_wait3A_126 : memref<704x64xbf16, #tpu.memory_space<hbm>>) dst(%dma_wait3A_123 : memref<704x64xbf16, #tpu.memory_space<vmem>>)
      %add3A_127 = arith.constant 2 : i32
      %add3A_128 = arith.addi %add3A_110, %add3A_127 : i32
      %lt3A_129 = arith.constant 50 : i32
      %lt3A_130 = arith.cmpi slt, %add3A_128, %lt3A_129 : i32
      %convert_element_type3A_131 = arith.extui %lt3A_130 : i1 to i32
      %cond3A_132 = arith.constant 0 : i32
      %cond3A_133 = arith.cmpi ne, %convert_element_type3A_131, %cond3A_132 : i32
      scf.if %cond3A_133 {
        %add3A_215 = arith.constant 2 : i32
        %add3A_216 = arith.addi %add3A_110, %add3A_215 : i32
        %mul3A_217 = arith.constant 50 : i32
        %mul3A_218 = arith.muli %add3A, %mul3A_217 : i32
        %add3A_219 = arith.addi %mul3A_218, %add3A_216 : i32
        %dma_start3A_220 = arith.constant 0 : i32
        %dma_start3A_221 = arith.constant 0 : i32
        %dma_start3A_222 = tpu.memref_slice %arg6[%dma_start3A_220, %dma_start3A_221] : memref<2x704xi32, #tpu.memory_space<vmem>> -> memref<1x704xi32, #tpu.memory_space<vmem>>
        %dma_start3A_223 = tpu.memref_squeeze %dma_start3A_222 : memref<1x704xi32, #tpu.memory_space<vmem>> -> memref<704xi32, #tpu.memory_space<vmem>>
        %dma_start3A_224 = arith.constant 0 : i32
        %dma_start3A_225 = tpu.memref_slice %arg2[%add3A_219, %dma_start3A_224] : memref<1600x704xi32, #tpu.memory_space<hbm>> -> memref<1x704xi32, #tpu.memory_space<hbm>>
        %dma_start3A_226 = tpu.memref_squeeze %dma_start3A_225 : memref<1x704xi32, #tpu.memory_space<hbm>> -> memref<704xi32, #tpu.memory_space<hbm>>
        %dma_start3A_227 = arith.constant 0 : i32
        %dma_start3A_228 = tpu.memref_slice %arg6[%dma_start3A_220, %dma_start3A_227] : memref<2x704xi32, #tpu.memory_space<vmem>> -> memref<1x704xi32, #tpu.memory_space<vmem>>
        %dma_start3A_229 = tpu.memref_squeeze %dma_start3A_228 : memref<1x704xi32, #tpu.memory_space<vmem>> -> memref<704xi32, #tpu.memory_space<vmem>>
        %dma_start3A_230 = arith.constant 0 : i32
        %dma_start3A_231 = tpu.memref_slice %arg2[%add3A_219, %dma_start3A_230] : memref<1600x704xi32, #tpu.memory_space<hbm>> -> memref<1x704xi32, #tpu.memory_space<hbm>>
        %dma_start3A_232 = tpu.memref_squeeze %dma_start3A_231 : memref<1x704xi32, #tpu.memory_space<hbm>> -> memref<704xi32, #tpu.memory_space<hbm>>
        tpu.enqueue_dma source(%dma_start3A_232 : memref<704xi32, #tpu.memory_space<hbm>>) target(%dma_start3A_229 : memref<704xi32, #tpu.memory_space<vmem>>) target_semaphore(%arg13 : memref<!tpu.dma_semaphore, #tpu.memory_space<semaphore_mem>>)
      } else {
      }
      %ge3A = arith.constant 2 : i32
      %ge3A_134 = arith.cmpi sge, %add3A_110, %ge3A : i32
      %convert_element_type3A_135 = arith.extui %ge3A_134 : i1 to i32
      %cond3A_136 = arith.constant 0 : i32
      %cond3A_137 = arith.cmpi ne, %convert_element_type3A_135, %cond3A_136 : i32
      scf.if %cond3A_137 {
        %mul3A_215 = arith.constant 1600 : i32
        %mul3A_216 = arith.muli %add3A, %mul3A_215 : i32
        %dma_wait3A_217 = arith.constant 0 : i32
        %dma_wait3A_218 = arith.constant 0 : i32
        %dma_wait3A_219 = tpu.memref_slice %arg8[%dma_wait3A_217, %dma_wait3A_218] : memref<64x64xbf16, #tpu.memory_space<vmem>> -> memref<32x64xbf16, #tpu.memory_space<vmem>>
        %dma_wait3A_220 = arith.constant 0 : i32
        %dma_wait3A_221 = tpu.memref_slice %arg5[%mul3A_216, %dma_wait3A_220] : memref<51200x64xbf16, #tpu.memory_space<hbm>> -> memref<32x64xbf16, #tpu.memory_space<hbm>>
        %dma_wait3A_222 = arith.constant 0 : i32
        %dma_wait3A_223 = tpu.memref_slice %arg5[%mul3A_216, %dma_wait3A_222] : memref<51200x64xbf16, #tpu.memory_space<hbm>> -> memref<32x64xbf16, #tpu.memory_space<hbm>>
        %dma_wait3A_224 = arith.constant 0 : i32
        %dma_wait3A_225 = arith.constant 0 : i32
        %dma_wait3A_226 = tpu.memref_slice %arg8[%dma_wait3A_224, %dma_wait3A_225] : memref<64x64xbf16, #tpu.memory_space<vmem>> -> memref<32x64xbf16, #tpu.memory_space<vmem>>
        tpu.wait_dma2 semaphore(%arg11 : memref<!tpu.dma_semaphore, #tpu.memory_space<semaphore_mem>>) src(%dma_wait3A_226 : memref<32x64xbf16, #tpu.memory_space<vmem>>) dst(%dma_wait3A_223 : memref<32x64xbf16, #tpu.memory_space<hbm>>)
      } else {
      }
      %scan3A_138 = arith.constant 0 : i32
      %scan3A_139 = arith.constant 0 : i32
      %scan3A_140 = arith.constant 32 : i32
      %scan3A_141 = arith.addi %scan3A_139, %scan3A_140 : i32
      %scan3A_142 = arith.constant 1 : i32
      scf.for %scan3A_215 = %scan3A_139 to %scan3A_141 step %scan3A_142  : i32 {
        %mul3A_216 = arith.constant 20 : i32
        %mul3A_217 = arith.muli %scan3A_215, %mul3A_216 : i32
        %add3A_218 = arith.constant 0 : i32
        %add3A_219 = arith.addi %add3A_218, %mul3A_217 : i32
        %get3A = arith.index_cast %add3A_219 : i32 to index
        %get3A_220 = arith.constant 0 : index
        %get3A_221 = tpu.vector_load %arg7[%get3A, %get3A_220] {strides = array<i32>} : memref<1408x64xbf16, #tpu.memory_space<vmem>>, vector<1x32xbf16>,
        %get3A_222 = vector.shape_cast %get3A_221 : vector<1x32xbf16> to vector<32xbf16>
        %mul3A_223 = arith.constant 20 : i32
        %mul3A_224 = arith.muli %scan3A_215, %mul3A_223 : i32
        %add3A_225 = arith.constant 0 : i32
        %add3A_226 = arith.addi %add3A_225, %mul3A_224 : i32
        %add3A_227 = arith.constant 1 : i32
        %add3A_228 = arith.addi %add3A_226, %add3A_227 : i32
        %get3A_229 = arith.index_cast %add3A_228 : i32 to index
        %get3A_230 = arith.constant 0 : index
        %get3A_231 = tpu.vector_load %arg7[%get3A_229, %get3A_230] {strides = array<i32>} : memref<1408x64xbf16, #tpu.memory_space<vmem>>, vector<1x32xbf16>,
        %get3A_232 = vector.shape_cast %get3A_231 : vector<1x32xbf16> to vector<32xbf16>
        %add3A_233 = arith.addf %get3A_222, %get3A_232 : vector<32xbf16>
        %mul3A_234 = arith.constant 20 : i32
        %mul3A_235 = arith.muli %scan3A_215, %mul3A_234 : i32
        %add3A_236 = arith.constant 0 : i32
        %add3A_237 = arith.addi %add3A_236, %mul3A_235 : i32
        %add3A_238 = arith.constant 2 : i32
        %add3A_239 = arith.addi %add3A_237, %add3A_238 : i32
        %get3A_240 = arith.index_cast %add3A_239 : i32 to index
        %get3A_241 = arith.constant 0 : index
        %get3A_242 = tpu.vector_load %arg7[%get3A_240, %get3A_241] {strides = array<i32>} : memref<1408x64xbf16, #tpu.memory_space<vmem>>, vector<1x32xbf16>,
        %get3A_243 = vector.shape_cast %get3A_242 : vector<1x32xbf16> to vector<32xbf16>
        %add3A_244 = arith.addf %add3A_233, %get3A_243 : vector<32xbf16>
        %mul3A_245 = arith.constant 20 : i32
        %mul3A_246 = arith.muli %scan3A_215, %mul3A_245 : i32
        %add3A_247 = arith.constant 0 : i32
        %add3A_248 = arith.addi %add3A_247, %mul3A_246 : i32
        %add3A_249 = arith.constant 3 : i32
        %add3A_250 = arith.addi %add3A_248, %add3A_249 : i32
        %get3A_251 = arith.index_cast %add3A_250 : i32 to index
        %get3A_252 = arith.constant 0 : index
        %get3A_253 = tpu.vector_load %arg7[%get3A_251, %get3A_252] {strides = array<i32>} : memref<1408x64xbf16, #tpu.memory_space<vmem>>, vector<1x32xbf16>,
        %get3A_254 = vector.shape_cast %get3A_253 : vector<1x32xbf16> to vector<32xbf16>
        %add3A_255 = arith.addf %add3A_244, %get3A_254 : vector<32xbf16>
        %mul3A_256 = arith.constant 20 : i32
        %mul3A_257 = arith.muli %scan3A_215, %mul3A_256 : i32
        %add3A_258 = arith.constant 0 : i32
        %add3A_259 = arith.addi %add3A_258, %mul3A_257 : i32
        %add3A_260 = arith.constant 4 : i32
        %add3A_261 = arith.addi %add3A_259, %add3A_260 : i32
        %get3A_262 = arith.index_cast %add3A_261 : i32 to index
        %get3A_263 = arith.constant 0 : index
        %get3A_264 = tpu.vector_load %arg7[%get3A_262, %get3A_263] {strides = array<i32>} : memref<1408x64xbf16, #tpu.memory_space<vmem>>, vector<1x32xbf16>,
        %get3A_265 = vector.shape_cast %get3A_264 : vector<1x32xbf16> to vector<32xbf16>
        %add3A_266 = arith.addf %add3A_255, %get3A_265 : vector<32xbf16>
        %mul3A_267 = arith.constant 20 : i32
        %mul3A_268 = arith.muli %scan3A_215, %mul3A_267 : i32
        %add3A_269 = arith.constant 0 : i32
        %add3A_270 = arith.addi %add3A_269, %mul3A_268 : i32
        %add3A_271 = arith.constant 5 : i32
        %add3A_272 = arith.addi %add3A_270, %add3A_271 : i32
        %get3A_273 = arith.index_cast %add3A_272 : i32 to index
        %get3A_274 = arith.constant 0 : index
        %get3A_275 = tpu.vector_load %arg7[%get3A_273, %get3A_274] {strides = array<i32>} : memref<1408x64xbf16, #tpu.memory_space<vmem>>, vector<1x32xbf16>,
        %get3A_276 = vector.shape_cast %get3A_275 : vector<1x32xbf16> to vector<32xbf16>
        %add3A_277 = arith.addf %add3A_266, %get3A_276 : vector<32xbf16>
        %mul3A_278 = arith.constant 20 : i32
        %mul3A_279 = arith.muli %scan3A_215, %mul3A_278 : i32
        %add3A_280 = arith.constant 0 : i32
        %add3A_281 = arith.addi %add3A_280, %mul3A_279 : i32
        %add3A_282 = arith.constant 6 : i32
        %add3A_283 = arith.addi %add3A_281, %add3A_282 : i32
        %get3A_284 = arith.index_cast %add3A_283 : i32 to index
        %get3A_285 = arith.constant 0 : index
        %get3A_286 = tpu.vector_load %arg7[%get3A_284, %get3A_285] {strides = array<i32>} : memref<1408x64xbf16, #tpu.memory_space<vmem>>, vector<1x32xbf16>,
        %get3A_287 = vector.shape_cast %get3A_286 : vector<1x32xbf16> to vector<32xbf16>
        %add3A_288 = arith.addf %add3A_277, %get3A_287 : vector<32xbf16>
        %mul3A_289 = arith.constant 20 : i32
        %mul3A_290 = arith.muli %scan3A_215, %mul3A_289 : i32
        %add3A_291 = arith.constant 0 : i32
        %add3A_292 = arith.addi %add3A_291, %mul3A_290 : i32
        %add3A_293 = arith.constant 7 : i32
        %add3A_294 = arith.addi %add3A_292, %add3A_293 : i32
        %get3A_295 = arith.index_cast %add3A_294 : i32 to index
        %get3A_296 = arith.constant 0 : index
        %get3A_297 = tpu.vector_load %arg7[%get3A_295, %get3A_296] {strides = array<i32>} : memref<1408x64xbf16, #tpu.memory_space<vmem>>, vector<1x32xbf16>,
        %get3A_298 = vector.shape_cast %get3A_297 : vector<1x32xbf16> to vector<32xbf16>
        %add3A_299 = arith.addf %add3A_288, %get3A_298 : vector<32xbf16>
        %mul3A_300 = arith.constant 20 : i32
        %mul3A_301 = arith.muli %scan3A_215, %mul3A_300 : i32
        %add3A_302 = arith.constant 0 : i32
        %add3A_303 = arith.addi %add3A_302, %mul3A_301 : i32
        %add3A_304 = arith.constant 8 : i32
        %add3A_305 = arith.addi %add3A_303, %add3A_304 : i32
        %get3A_306 = arith.index_cast %add3A_305 : i32 to index
        %get3A_307 = arith.constant 0 : index
        %get3A_308 = tpu.vector_load %arg7[%get3A_306, %get3A_307] {strides = array<i32>} : memref<1408x64xbf16, #tpu.memory_space<vmem>>, vector<1x32xbf16>,
        %get3A_309 = vector.shape_cast %get3A_308 : vector<1x32xbf16> to vector<32xbf16>
        %add3A_310 = arith.addf %add3A_299, %get3A_309 : vector<32xbf16>
        %mul3A_311 = arith.constant 20 : i32
        %mul3A_312 = arith.muli %scan3A_215, %mul3A_311 : i32
        %add3A_313 = arith.constant 0 : i32
        %add3A_314 = arith.addi %add3A_313, %mul3A_312 : i32
        %add3A_315 = arith.constant 9 : i32
        %add3A_316 = arith.addi %add3A_314, %add3A_315 : i32
        %get3A_317 = arith.index_cast %add3A_316 : i32 to index
        %get3A_318 = arith.constant 0 : index
        %get3A_319 = tpu.vector_load %arg7[%get3A_317, %get3A_318] {strides = array<i32>} : memref<1408x64xbf16, #tpu.memory_space<vmem>>, vector<1x32xbf16>,
        %get3A_320 = vector.shape_cast %get3A_319 : vector<1x32xbf16> to vector<32xbf16>
        %add3A_321 = arith.addf %add3A_310, %get3A_320 : vector<32xbf16>
        %mul3A_322 = arith.constant 20 : i32
        %mul3A_323 = arith.muli %scan3A_215, %mul3A_322 : i32
        %add3A_324 = arith.constant 0 : i32
        %add3A_325 = arith.addi %add3A_324, %mul3A_323 : i32
        %add3A_326 = arith.constant 10 : i32
        %add3A_327 = arith.addi %add3A_325, %add3A_326 : i32
        %get3A_328 = arith.index_cast %add3A_327 : i32 to index
        %get3A_329 = arith.constant 0 : index
        %get3A_330 = tpu.vector_load %arg7[%get3A_328, %get3A_329] {strides = array<i32>} : memref<1408x64xbf16, #tpu.memory_space<vmem>>, vector<1x32xbf16>,
        %get3A_331 = vector.shape_cast %get3A_330 : vector<1x32xbf16> to vector<32xbf16>
        %add3A_332 = arith.addf %add3A_321, %get3A_331 : vector<32xbf16>
        %mul3A_333 = arith.constant 20 : i32
        %mul3A_334 = arith.muli %scan3A_215, %mul3A_333 : i32
        %add3A_335 = arith.constant 0 : i32
        %add3A_336 = arith.addi %add3A_335, %mul3A_334 : i32
        %add3A_337 = arith.constant 11 : i32
        %add3A_338 = arith.addi %add3A_336, %add3A_337 : i32
        %get3A_339 = arith.index_cast %add3A_338 : i32 to index
        %get3A_340 = arith.constant 0 : index
        %get3A_341 = tpu.vector_load %arg7[%get3A_339, %get3A_340] {strides = array<i32>} : memref<1408x64xbf16, #tpu.memory_space<vmem>>, vector<1x32xbf16>,
        %get3A_342 = vector.shape_cast %get3A_341 : vector<1x32xbf16> to vector<32xbf16>
        %add3A_343 = arith.addf %add3A_332, %get3A_342 : vector<32xbf16>
        %mul3A_344 = arith.constant 20 : i32
        %mul3A_345 = arith.muli %scan3A_215, %mul3A_344 : i32
        %add3A_346 = arith.constant 0 : i32
        %add3A_347 = arith.addi %add3A_346, %mul3A_345 : i32
        %add3A_348 = arith.constant 12 : i32
        %add3A_349 = arith.addi %add3A_347, %add3A_348 : i32
        %get3A_350 = arith.index_cast %add3A_349 : i32 to index
        %get3A_351 = arith.constant 0 : index
        %get3A_352 = tpu.vector_load %arg7[%get3A_350, %get3A_351] {strides = array<i32>} : memref<1408x64xbf16, #tpu.memory_space<vmem>>, vector<1x32xbf16>,
        %get3A_353 = vector.shape_cast %get3A_352 : vector<1x32xbf16> to vector<32xbf16>
        %add3A_354 = arith.addf %add3A_343, %get3A_353 : vector<32xbf16>
        %mul3A_355 = arith.constant 20 : i32
        %mul3A_356 = arith.muli %scan3A_215, %mul3A_355 : i32
        %add3A_357 = arith.constant 0 : i32
        %add3A_358 = arith.addi %add3A_357, %mul3A_356 : i32
        %add3A_359 = arith.constant 13 : i32
        %add3A_360 = arith.addi %add3A_358, %add3A_359 : i32
        %get3A_361 = arith.index_cast %add3A_360 : i32 to index
        %get3A_362 = arith.constant 0 : index
        %get3A_363 = tpu.vector_load %arg7[%get3A_361, %get3A_362] {strides = array<i32>} : memref<1408x64xbf16, #tpu.memory_space<vmem>>, vector<1x32xbf16>,
        %get3A_364 = vector.shape_cast %get3A_363 : vector<1x32xbf16> to vector<32xbf16>
        %add3A_365 = arith.addf %add3A_354, %get3A_364 : vector<32xbf16>
        %mul3A_366 = arith.constant 20 : i32
        %mul3A_367 = arith.muli %scan3A_215, %mul3A_366 : i32
        %add3A_368 = arith.constant 0 : i32
        %add3A_369 = arith.addi %add3A_368, %mul3A_367 : i32
        %add3A_370 = arith.constant 14 : i32
        %add3A_371 = arith.addi %add3A_369, %add3A_370 : i32
        %get3A_372 = arith.index_cast %add3A_371 : i32 to index
        %get3A_373 = arith.constant 0 : index
        %get3A_374 = tpu.vector_load %arg7[%get3A_372, %get3A_373] {strides = array<i32>} : memref<1408x64xbf16, #tpu.memory_space<vmem>>, vector<1x32xbf16>,
        %get3A_375 = vector.shape_cast %get3A_374 : vector<1x32xbf16> to vector<32xbf16>
        %add3A_376 = arith.addf %add3A_365, %get3A_375 : vector<32xbf16>
        %mul3A_377 = arith.constant 20 : i32
        %mul3A_378 = arith.muli %scan3A_215, %mul3A_377 : i32
        %add3A_379 = arith.constant 0 : i32
        %add3A_380 = arith.addi %add3A_379, %mul3A_378 : i32
        %add3A_381 = arith.constant 15 : i32
        %add3A_382 = arith.addi %add3A_380, %add3A_381 : i32
        %get3A_383 = arith.index_cast %add3A_382 : i32 to index
        %get3A_384 = arith.constant 0 : index
        %get3A_385 = tpu.vector_load %arg7[%get3A_383, %get3A_384] {strides = array<i32>} : memref<1408x64xbf16, #tpu.memory_space<vmem>>, vector<1x32xbf16>,
        %get3A_386 = vector.shape_cast %get3A_385 : vector<1x32xbf16> to vector<32xbf16>
        %add3A_387 = arith.addf %add3A_376, %get3A_386 : vector<32xbf16>
        %mul3A_388 = arith.constant 20 : i32
        %mul3A_389 = arith.muli %scan3A_215, %mul3A_388 : i32
        %add3A_390 = arith.constant 0 : i32
        %add3A_391 = arith.addi %add3A_390, %mul3A_389 : i32
        %add3A_392 = arith.constant 16 : i32
        %add3A_393 = arith.addi %add3A_391, %add3A_392 : i32
        %get3A_394 = arith.index_cast %add3A_393 : i32 to index
        %get3A_395 = arith.constant 0 : index
        %get3A_396 = tpu.vector_load %arg7[%get3A_394, %get3A_395] {strides = array<i32>} : memref<1408x64xbf16, #tpu.memory_space<vmem>>, vector<1x32xbf16>,
        %get3A_397 = vector.shape_cast %get3A_396 : vector<1x32xbf16> to vector<32xbf16>
        %add3A_398 = arith.addf %add3A_387, %get3A_397 : vector<32xbf16>
        %mul3A_399 = arith.constant 20 : i32
        %mul3A_400 = arith.muli %scan3A_215, %mul3A_399 : i32
        %add3A_401 = arith.constant 0 : i32
        %add3A_402 = arith.addi %add3A_401, %mul3A_400 : i32
        %add3A_403 = arith.constant 17 : i32
        %add3A_404 = arith.addi %add3A_402, %add3A_403 : i32
        %get3A_405 = arith.index_cast %add3A_404 : i32 to index
        %get3A_406 = arith.constant 0 : index
        %get3A_407 = tpu.vector_load %arg7[%get3A_405, %get3A_406] {strides = array<i32>} : memref<1408x64xbf16, #tpu.memory_space<vmem>>, vector<1x32xbf16>,
        %get3A_408 = vector.shape_cast %get3A_407 : vector<1x32xbf16> to vector<32xbf16>
        %add3A_409 = arith.addf %add3A_398, %get3A_408 : vector<32xbf16>
        %mul3A_410 = arith.constant 20 : i32
        %mul3A_411 = arith.muli %scan3A_215, %mul3A_410 : i32
        %add3A_412 = arith.constant 0 : i32
        %add3A_413 = arith.addi %add3A_412, %mul3A_411 : i32
        %add3A_414 = arith.constant 18 : i32
        %add3A_415 = arith.addi %add3A_413, %add3A_414 : i32
        %get3A_416 = arith.index_cast %add3A_415 : i32 to index
        %get3A_417 = arith.constant 0 : index
        %get3A_418 = tpu.vector_load %arg7[%get3A_416, %get3A_417] {strides = array<i32>} : memref<1408x64xbf16, #tpu.memory_space<vmem>>, vector<1x32xbf16>,
        %get3A_419 = vector.shape_cast %get3A_418 : vector<1x32xbf16> to vector<32xbf16>
        %add3A_420 = arith.addf %add3A_409, %get3A_419 : vector<32xbf16>
        %mul3A_421 = arith.constant 20 : i32
        %mul3A_422 = arith.muli %scan3A_215, %mul3A_421 : i32
        %add3A_423 = arith.constant 0 : i32
        %add3A_424 = arith.addi %add3A_423, %mul3A_422 : i32
        %add3A_425 = arith.constant 19 : i32
        %add3A_426 = arith.addi %add3A_424, %add3A_425 : i32
        %get3A_427 = arith.index_cast %add3A_426 : i32 to index
        %get3A_428 = arith.constant 0 : index
        %get3A_429 = tpu.vector_load %arg7[%get3A_427, %get3A_428] {strides = array<i32>} : memref<1408x64xbf16, #tpu.memory_space<vmem>>, vector<1x32xbf16>,
        %get3A_430 = vector.shape_cast %get3A_429 : vector<1x32xbf16> to vector<32xbf16>
        %add3A_431 = arith.addf %add3A_420, %get3A_430 : vector<32xbf16>
        %mul3A_432 = arith.constant 5.004880e-02 : bf16
        %mul3A_433 = vector.broadcast %mul3A_432 : bf16 to vector<32xbf16>
        %mul3A_434 = arith.mulf %add3A_431, %mul3A_433 : vector<32xbf16>
        %add3A_435 = arith.constant 640 : i32
        %add3A_436 = arith.addi %add3A_435, %scan3A_215 : i32
        %get3A_437 = arith.index_cast %add3A_436 : i32 to index
        %get3A_438 = arith.constant 0 : index
        %get3A_439 = tpu.vector_load %arg7[%get3A_437, %get3A_438] {strides = array<i32>} : memref<1408x64xbf16, #tpu.memory_space<vmem>>, vector<1x32xbf16>,
        %get3A_440 = vector.shape_cast %get3A_439 : vector<1x32xbf16> to vector<32xbf16>
        %add3A_441 = arith.addf %mul3A_434, %get3A_440 : vector<32xbf16>
        %add3A_442 = arith.constant 672 : i32
        %add3A_443 = arith.addi %add3A_442, %scan3A_215 : i32
        %get3A_444 = arith.index_cast %add3A_443 : i32 to index
        %get3A_445 = arith.constant 0 : index
        %get3A_446 = tpu.vector_load %arg7[%get3A_444, %get3A_445] {strides = array<i32>} : memref<1408x64xbf16, #tpu.memory_space<vmem>>, vector<1x32xbf16>,
        %get3A_447 = vector.shape_cast %get3A_446 : vector<1x32xbf16> to vector<32xbf16>
        %add3A_448 = arith.addf %add3A_441, %get3A_447 : vector<32xbf16>
        %add3A_449 = arith.constant 0 : i32
        %add3A_450 = arith.addi %add3A_449, %scan3A_215 : i32
        %swap3A = arith.index_cast %add3A_450 : i32 to index
        %swap3A_451 = arith.constant 0 : index
        %swap3A_452 = tpu.vector_load %arg8[%swap3A, %swap3A_451] {strides = array<i32>} : memref<64x64xbf16, #tpu.memory_space<vmem>>, vector<1x32xbf16>,
        %swap3A_453 = vector.shape_cast %swap3A_452 : vector<1x32xbf16> to vector<32xbf16>
        %swap3A_454 = vector.shape_cast %add3A_448 : vector<32xbf16> to vector<1x32xbf16>
        tpu.vector_store %arg8[%swap3A, %swap3A_451], %swap3A_454 {strides = array<i32>} : memref<64x64xbf16, #tpu.memory_space<vmem>>, vector<1x32xbf16>,
        %mul3A_455 = arith.constant 20 : i32
        %mul3A_456 = arith.muli %scan3A_215, %mul3A_455 : i32
        %add3A_457 = arith.constant 0 : i32
        %add3A_458 = arith.addi %add3A_457, %mul3A_456 : i32
        %get3A_459 = arith.index_cast %add3A_458 : i32 to index
        %get3A_460 = arith.constant 32 : index
        %get3A_461 = tpu.vector_load %arg7[%get3A_459, %get3A_460] {strides = array<i32>} : memref<1408x64xbf16, #tpu.memory_space<vmem>>, vector<1x32xbf16>,
        %get3A_462 = vector.shape_cast %get3A_461 : vector<1x32xbf16> to vector<32xbf16>
        %mul3A_463 = arith.constant 20 : i32
        %mul3A_464 = arith.muli %scan3A_215, %mul3A_463 : i32
        %add3A_465 = arith.constant 0 : i32
        %add3A_466 = arith.addi %add3A_465, %mul3A_464 : i32
        %add3A_467 = arith.constant 1 : i32
        %add3A_468 = arith.addi %add3A_466, %add3A_467 : i32
        %get3A_469 = arith.index_cast %add3A_468 : i32 to index
        %get3A_470 = arith.constant 32 : index
        %get3A_471 = tpu.vector_load %arg7[%get3A_469, %get3A_470] {strides = array<i32>} : memref<1408x64xbf16, #tpu.memory_space<vmem>>, vector<1x32xbf16>,
        %get3A_472 = vector.shape_cast %get3A_471 : vector<1x32xbf16> to vector<32xbf16>
        %add3A_473 = arith.addf %get3A_462, %get3A_472 : vector<32xbf16>
        %mul3A_474 = arith.constant 20 : i32
        %mul3A_475 = arith.muli %scan3A_215, %mul3A_474 : i32
        %add3A_476 = arith.constant 0 : i32
        %add3A_477 = arith.addi %add3A_476, %mul3A_475 : i32
        %add3A_478 = arith.constant 2 : i32
        %add3A_479 = arith.addi %add3A_477, %add3A_478 : i32
        %get3A_480 = arith.index_cast %add3A_479 : i32 to index
        %get3A_481 = arith.constant 32 : index
        %get3A_482 = tpu.vector_load %arg7[%get3A_480, %get3A_481] {strides = array<i32>} : memref<1408x64xbf16, #tpu.memory_space<vmem>>, vector<1x32xbf16>,
        %get3A_483 = vector.shape_cast %get3A_482 : vector<1x32xbf16> to vector<32xbf16>
        %add3A_484 = arith.addf %add3A_473, %get3A_483 : vector<32xbf16>
        %mul3A_485 = arith.constant 20 : i32
        %mul3A_486 = arith.muli %scan3A_215, %mul3A_485 : i32
        %add3A_487 = arith.constant 0 : i32
        %add3A_488 = arith.addi %add3A_487, %mul3A_486 : i32
        %add3A_489 = arith.constant 3 : i32
        %add3A_490 = arith.addi %add3A_488, %add3A_489 : i32
        %get3A_491 = arith.index_cast %add3A_490 : i32 to index
        %get3A_492 = arith.constant 32 : index
        %get3A_493 = tpu.vector_load %arg7[%get3A_491, %get3A_492] {strides = array<i32>} : memref<1408x64xbf16, #tpu.memory_space<vmem>>, vector<1x32xbf16>,
        %get3A_494 = vector.shape_cast %get3A_493 : vector<1x32xbf16> to vector<32xbf16>
        %add3A_495 = arith.addf %add3A_484, %get3A_494 : vector<32xbf16>
        %mul3A_496 = arith.constant 20 : i32
        %mul3A_497 = arith.muli %scan3A_215, %mul3A_496 : i32
        %add3A_498 = arith.constant 0 : i32
        %add3A_499 = arith.addi %add3A_498, %mul3A_497 : i32
        %add3A_500 = arith.constant 4 : i32
        %add3A_501 = arith.addi %add3A_499, %add3A_500 : i32
        %get3A_502 = arith.index_cast %add3A_501 : i32 to index
        %get3A_503 = arith.constant 32 : index
        %get3A_504 = tpu.vector_load %arg7[%get3A_502, %get3A_503] {strides = array<i32>} : memref<1408x64xbf16, #tpu.memory_space<vmem>>, vector<1x32xbf16>,
        %get3A_505 = vector.shape_cast %get3A_504 : vector<1x32xbf16> to vector<32xbf16>
        %add3A_506 = arith.addf %add3A_495, %get3A_505 : vector<32xbf16>
        %mul3A_507 = arith.constant 20 : i32
        %mul3A_508 = arith.muli %scan3A_215, %mul3A_507 : i32
        %add3A_509 = arith.constant 0 : i32
        %add3A_510 = arith.addi %add3A_509, %mul3A_508 : i32
        %add3A_511 = arith.constant 5 : i32
        %add3A_512 = arith.addi %add3A_510, %add3A_511 : i32
        %get3A_513 = arith.index_cast %add3A_512 : i32 to index
        %get3A_514 = arith.constant 32 : index
        %get3A_515 = tpu.vector_load %arg7[%get3A_513, %get3A_514] {strides = array<i32>} : memref<1408x64xbf16, #tpu.memory_space<vmem>>, vector<1x32xbf16>,
        %get3A_516 = vector.shape_cast %get3A_515 : vector<1x32xbf16> to vector<32xbf16>
        %add3A_517 = arith.addf %add3A_506, %get3A_516 : vector<32xbf16>
        %mul3A_518 = arith.constant 20 : i32
        %mul3A_519 = arith.muli %scan3A_215, %mul3A_518 : i32
        %add3A_520 = arith.constant 0 : i32
        %add3A_521 = arith.addi %add3A_520, %mul3A_519 : i32
        %add3A_522 = arith.constant 6 : i32
        %add3A_523 = arith.addi %add3A_521, %add3A_522 : i32
        %get3A_524 = arith.index_cast %add3A_523 : i32 to index
        %get3A_525 = arith.constant 32 : index
        %get3A_526 = tpu.vector_load %arg7[%get3A_524, %get3A_525] {strides = array<i32>} : memref<1408x64xbf16, #tpu.memory_space<vmem>>, vector<1x32xbf16>,
        %get3A_527 = vector.shape_cast %get3A_526 : vector<1x32xbf16> to vector<32xbf16>
        %add3A_528 = arith.addf %add3A_517, %get3A_527 : vector<32xbf16>
        %mul3A_529 = arith.constant 20 : i32
        %mul3A_530 = arith.muli %scan3A_215, %mul3A_529 : i32
        %add3A_531 = arith.constant 0 : i32
        %add3A_532 = arith.addi %add3A_531, %mul3A_530 : i32
        %add3A_533 = arith.constant 7 : i32
        %add3A_534 = arith.addi %add3A_532, %add3A_533 : i32
        %get3A_535 = arith.index_cast %add3A_534 : i32 to index
        %get3A_536 = arith.constant 32 : index
        %get3A_537 = tpu.vector_load %arg7[%get3A_535, %get3A_536] {strides = array<i32>} : memref<1408x64xbf16, #tpu.memory_space<vmem>>, vector<1x32xbf16>,
        %get3A_538 = vector.shape_cast %get3A_537 : vector<1x32xbf16> to vector<32xbf16>
        %add3A_539 = arith.addf %add3A_528, %get3A_538 : vector<32xbf16>
        %mul3A_540 = arith.constant 20 : i32
        %mul3A_541 = arith.muli %scan3A_215, %mul3A_540 : i32
        %add3A_542 = arith.constant 0 : i32
        %add3A_543 = arith.addi %add3A_542, %mul3A_541 : i32
        %add3A_544 = arith.constant 8 : i32
        %add3A_545 = arith.addi %add3A_543, %add3A_544 : i32
        %get3A_546 = arith.index_cast %add3A_545 : i32 to index
        %get3A_547 = arith.constant 32 : index
        %get3A_548 = tpu.vector_load %arg7[%get3A_546, %get3A_547] {strides = array<i32>} : memref<1408x64xbf16, #tpu.memory_space<vmem>>, vector<1x32xbf16>,
        %get3A_549 = vector.shape_cast %get3A_548 : vector<1x32xbf16> to vector<32xbf16>
        %add3A_550 = arith.addf %add3A_539, %get3A_549 : vector<32xbf16>
        %mul3A_551 = arith.constant 20 : i32
        %mul3A_552 = arith.muli %scan3A_215, %mul3A_551 : i32
        %add3A_553 = arith.constant 0 : i32
        %add3A_554 = arith.addi %add3A_553, %mul3A_552 : i32
        %add3A_555 = arith.constant 9 : i32
        %add3A_556 = arith.addi %add3A_554, %add3A_555 : i32
        %get3A_557 = arith.index_cast %add3A_556 : i32 to index
        %get3A_558 = arith.constant 32 : index
        %get3A_559 = tpu.vector_load %arg7[%get3A_557, %get3A_558] {strides = array<i32>} : memref<1408x64xbf16, #tpu.memory_space<vmem>>, vector<1x32xbf16>,
        %get3A_560 = vector.shape_cast %get3A_559 : vector<1x32xbf16> to vector<32xbf16>
        %add3A_561 = arith.addf %add3A_550, %get3A_560 : vector<32xbf16>
        %mul3A_562 = arith.constant 20 : i32
        %mul3A_563 = arith.muli %scan3A_215, %mul3A_562 : i32
        %add3A_564 = arith.constant 0 : i32
        %add3A_565 = arith.addi %add3A_564, %mul3A_563 : i32
        %add3A_566 = arith.constant 10 : i32
        %add3A_567 = arith.addi %add3A_565, %add3A_566 : i32
        %get3A_568 = arith.index_cast %add3A_567 : i32 to index
        %get3A_569 = arith.constant 32 : index
        %get3A_570 = tpu.vector_load %arg7[%get3A_568, %get3A_569] {strides = array<i32>} : memref<1408x64xbf16, #tpu.memory_space<vmem>>, vector<1x32xbf16>,
        %get3A_571 = vector.shape_cast %get3A_570 : vector<1x32xbf16> to vector<32xbf16>
        %add3A_572 = arith.addf %add3A_561, %get3A_571 : vector<32xbf16>
        %mul3A_573 = arith.constant 20 : i32
        %mul3A_574 = arith.muli %scan3A_215, %mul3A_573 : i32
        %add3A_575 = arith.constant 0 : i32
        %add3A_576 = arith.addi %add3A_575, %mul3A_574 : i32
        %add3A_577 = arith.constant 11 : i32
        %add3A_578 = arith.addi %add3A_576, %add3A_577 : i32
        %get3A_579 = arith.index_cast %add3A_578 : i32 to index
        %get3A_580 = arith.constant 32 : index
        %get3A_581 = tpu.vector_load %arg7[%get3A_579, %get3A_580] {strides = array<i32>} : memref<1408x64xbf16, #tpu.memory_space<vmem>>, vector<1x32xbf16>,
        %get3A_582 = vector.shape_cast %get3A_581 : vector<1x32xbf16> to vector<32xbf16>
        %add3A_583 = arith.addf %add3A_572, %get3A_582 : vector<32xbf16>
        %mul3A_584 = arith.constant 20 : i32
        %mul3A_585 = arith.muli %scan3A_215, %mul3A_584 : i32
        %add3A_586 = arith.constant 0 : i32
        %add3A_587 = arith.addi %add3A_586, %mul3A_585 : i32
        %add3A_588 = arith.constant 12 : i32
        %add3A_589 = arith.addi %add3A_587, %add3A_588 : i32
        %get3A_590 = arith.index_cast %add3A_589 : i32 to index
        %get3A_591 = arith.constant 32 : index
        %get3A_592 = tpu.vector_load %arg7[%get3A_590, %get3A_591] {strides = array<i32>} : memref<1408x64xbf16, #tpu.memory_space<vmem>>, vector<1x32xbf16>,
        %get3A_593 = vector.shape_cast %get3A_592 : vector<1x32xbf16> to vector<32xbf16>
        %add3A_594 = arith.addf %add3A_583, %get3A_593 : vector<32xbf16>
        %mul3A_595 = arith.constant 20 : i32
        %mul3A_596 = arith.muli %scan3A_215, %mul3A_595 : i32
        %add3A_597 = arith.constant 0 : i32
        %add3A_598 = arith.addi %add3A_597, %mul3A_596 : i32
        %add3A_599 = arith.constant 13 : i32
        %add3A_600 = arith.addi %add3A_598, %add3A_599 : i32
        %get3A_601 = arith.index_cast %add3A_600 : i32 to index
        %get3A_602 = arith.constant 32 : index
        %get3A_603 = tpu.vector_load %arg7[%get3A_601, %get3A_602] {strides = array<i32>} : memref<1408x64xbf16, #tpu.memory_space<vmem>>, vector<1x32xbf16>,
        %get3A_604 = vector.shape_cast %get3A_603 : vector<1x32xbf16> to vector<32xbf16>
        %add3A_605 = arith.addf %add3A_594, %get3A_604 : vector<32xbf16>
        %mul3A_606 = arith.constant 20 : i32
        %mul3A_607 = arith.muli %scan3A_215, %mul3A_606 : i32
        %add3A_608 = arith.constant 0 : i32
        %add3A_609 = arith.addi %add3A_608, %mul3A_607 : i32
        %add3A_610 = arith.constant 14 : i32
        %add3A_611 = arith.addi %add3A_609, %add3A_610 : i32
        %get3A_612 = arith.index_cast %add3A_611 : i32 to index
        %get3A_613 = arith.constant 32 : index
        %get3A_614 = tpu.vector_load %arg7[%get3A_612, %get3A_613] {strides = array<i32>} : memref<1408x64xbf16, #tpu.memory_space<vmem>>, vector<1x32xbf16>,
        %get3A_615 = vector.shape_cast %get3A_614 : vector<1x32xbf16> to vector<32xbf16>
        %add3A_616 = arith.addf %add3A_605, %get3A_615 : vector<32xbf16>
        %mul3A_617 = arith.constant 20 : i32
        %mul3A_618 = arith.muli %scan3A_215, %mul3A_617 : i32
        %add3A_619 = arith.constant 0 : i32
        %add3A_620 = arith.addi %add3A_619, %mul3A_618 : i32
        %add3A_621 = arith.constant 15 : i32
        %add3A_622 = arith.addi %add3A_620, %add3A_621 : i32
        %get3A_623 = arith.index_cast %add3A_622 : i32 to index
        %get3A_624 = arith.constant 32 : index
        %get3A_625 = tpu.vector_load %arg7[%get3A_623, %get3A_624] {strides = array<i32>} : memref<1408x64xbf16, #tpu.memory_space<vmem>>, vector<1x32xbf16>,
        %get3A_626 = vector.shape_cast %get3A_625 : vector<1x32xbf16> to vector<32xbf16>
        %add3A_627 = arith.addf %add3A_616, %get3A_626 : vector<32xbf16>
        %mul3A_628 = arith.constant 20 : i32
        %mul3A_629 = arith.muli %scan3A_215, %mul3A_628 : i32
        %add3A_630 = arith.constant 0 : i32
        %add3A_631 = arith.addi %add3A_630, %mul3A_629 : i32
        %add3A_632 = arith.constant 16 : i32
        %add3A_633 = arith.addi %add3A_631, %add3A_632 : i32
        %get3A_634 = arith.index_cast %add3A_633 : i32 to index
        %get3A_635 = arith.constant 32 : index
        %get3A_636 = tpu.vector_load %arg7[%get3A_634, %get3A_635] {strides = array<i32>} : memref<1408x64xbf16, #tpu.memory_space<vmem>>, vector<1x32xbf16>,
        %get3A_637 = vector.shape_cast %get3A_636 : vector<1x32xbf16> to vector<32xbf16>
        %add3A_638 = arith.addf %add3A_627, %get3A_637 : vector<32xbf16>
        %mul3A_639 = arith.constant 20 : i32
        %mul3A_640 = arith.muli %scan3A_215, %mul3A_639 : i32
        %add3A_641 = arith.constant 0 : i32
        %add3A_642 = arith.addi %add3A_641, %mul3A_640 : i32
        %add3A_643 = arith.constant 17 : i32
        %add3A_644 = arith.addi %add3A_642, %add3A_643 : i32
        %get3A_645 = arith.index_cast %add3A_644 : i32 to index
        %get3A_646 = arith.constant 32 : index
        %get3A_647 = tpu.vector_load %arg7[%get3A_645, %get3A_646] {strides = array<i32>} : memref<1408x64xbf16, #tpu.memory_space<vmem>>, vector<1x32xbf16>,
        %get3A_648 = vector.shape_cast %get3A_647 : vector<1x32xbf16> to vector<32xbf16>
        %add3A_649 = arith.addf %add3A_638, %get3A_648 : vector<32xbf16>
        %mul3A_650 = arith.constant 20 : i32
        %mul3A_651 = arith.muli %scan3A_215, %mul3A_650 : i32
        %add3A_652 = arith.constant 0 : i32
        %add3A_653 = arith.addi %add3A_652, %mul3A_651 : i32
        %add3A_654 = arith.constant 18 : i32
        %add3A_655 = arith.addi %add3A_653, %add3A_654 : i32
        %get3A_656 = arith.index_cast %add3A_655 : i32 to index
        %get3A_657 = arith.constant 32 : index
        %get3A_658 = tpu.vector_load %arg7[%get3A_656, %get3A_657] {strides = array<i32>} : memref<1408x64xbf16, #tpu.memory_space<vmem>>, vector<1x32xbf16>,
        %get3A_659 = vector.shape_cast %get3A_658 : vector<1x32xbf16> to vector<32xbf16>
        %add3A_660 = arith.addf %add3A_649, %get3A_659 : vector<32xbf16>
        %mul3A_661 = arith.constant 20 : i32
        %mul3A_662 = arith.muli %scan3A_215, %mul3A_661 : i32
        %add3A_663 = arith.constant 0 : i32
        %add3A_664 = arith.addi %add3A_663, %mul3A_662 : i32
        %add3A_665 = arith.constant 19 : i32
        %add3A_666 = arith.addi %add3A_664, %add3A_665 : i32
        %get3A_667 = arith.index_cast %add3A_666 : i32 to index
        %get3A_668 = arith.constant 32 : index
        %get3A_669 = tpu.vector_load %arg7[%get3A_667, %get3A_668] {strides = array<i32>} : memref<1408x64xbf16, #tpu.memory_space<vmem>>, vector<1x32xbf16>,
        %get3A_670 = vector.shape_cast %get3A_669 : vector<1x32xbf16> to vector<32xbf16>
        %add3A_671 = arith.addf %add3A_660, %get3A_670 : vector<32xbf16>
        %mul3A_672 = arith.constant 5.004880e-02 : bf16
        %mul3A_673 = vector.broadcast %mul3A_672 : bf16 to vector<32xbf16>
        %mul3A_674 = arith.mulf %add3A_671, %mul3A_673 : vector<32xbf16>
        %add3A_675 = arith.constant 640 : i32
        %add3A_676 = arith.addi %add3A_675, %scan3A_215 : i32
        %get3A_677 = arith.index_cast %add3A_676 : i32 to index
        %get3A_678 = arith.constant 32 : index
        %get3A_679 = tpu.vector_load %arg7[%get3A_677, %get3A_678] {strides = array<i32>} : memref<1408x64xbf16, #tpu.memory_space<vmem>>, vector<1x32xbf16>,
        %get3A_680 = vector.shape_cast %get3A_679 : vector<1x32xbf16> to vector<32xbf16>
        %add3A_681 = arith.addf %mul3A_674, %get3A_680 : vector<32xbf16>
        %add3A_682 = arith.constant 672 : i32
        %add3A_683 = arith.addi %add3A_682, %scan3A_215 : i32
        %get3A_684 = arith.index_cast %add3A_683 : i32 to index
        %get3A_685 = arith.constant 32 : index
        %get3A_686 = tpu.vector_load %arg7[%get3A_684, %get3A_685] {strides = array<i32>} : memref<1408x64xbf16, #tpu.memory_space<vmem>>, vector<1x32xbf16>,
        %get3A_687 = vector.shape_cast %get3A_686 : vector<1x32xbf16> to vector<32xbf16>
        %add3A_688 = arith.addf %add3A_681, %get3A_687 : vector<32xbf16>
        %add3A_689 = arith.constant 0 : i32
        %add3A_690 = arith.addi %add3A_689, %scan3A_215 : i32
        %swap3A_691 = arith.index_cast %add3A_690 : i32 to index
        %swap3A_692 = arith.constant 32 : index
        %swap3A_693 = tpu.vector_load %arg8[%swap3A_691, %swap3A_692] {strides = array<i32>} : memref<64x64xbf16, #tpu.memory_space<vmem>>, vector<1x32xbf16>,
        %swap3A_694 = vector.shape_cast %swap3A_693 : vector<1x32xbf16> to vector<32xbf16>
        %swap3A_695 = vector.shape_cast %add3A_688 : vector<32xbf16> to vector<1x32xbf16>
        tpu.vector_store %arg8[%swap3A_691, %swap3A_692], %swap3A_695 {strides = array<i32>} : memref<64x64xbf16, #tpu.memory_space<vmem>>, vector<1x32xbf16>,
      }
      %scan3A_143 = arith.constant 32 : i32
      %mul3A_144 = arith.constant 1600 : i32
      %mul3A_145 = arith.muli %add3A, %mul3A_144 : i32
      %mul3A_146 = arith.constant 32 : i32
      %mul3A_147 = arith.muli %add3A_110, %mul3A_146 : i32
      %add3A_148 = arith.addi %mul3A_145, %mul3A_147 : i32
      %dma_start3A_149 = arith.constant 0 : i32
      %dma_start3A_150 = arith.constant 0 : i32
      %dma_start3A_151 = tpu.memref_slice %arg8[%dma_start3A_149, %dma_start3A_150] : memref<64x64xbf16, #tpu.memory_space<vmem>> -> memref<32x64xbf16, #tpu.memory_space<vmem>>
      %dma_start3A_152 = arith.constant 0 : i32
      %dma_start3A_153 = tpu.memref_slice %arg5[%add3A_148, %dma_start3A_152] : memref<51200x64xbf16, #tpu.memory_space<hbm>> -> memref<32x64xbf16, #tpu.memory_space<hbm>>
      %dma_start3A_154 = arith.constant 0 : i32
      %dma_start3A_155 = tpu.memref_slice %arg5[%add3A_148, %dma_start3A_154] : memref<51200x64xbf16, #tpu.memory_space<hbm>> -> memref<32x64xbf16, #tpu.memory_space<hbm>>
      %dma_start3A_156 = arith.constant 0 : i32
      %dma_start3A_157 = arith.constant 0 : i32
      %dma_start3A_158 = tpu.memref_slice %arg8[%dma_start3A_156, %dma_start3A_157] : memref<64x64xbf16, #tpu.memory_space<vmem>> -> memref<32x64xbf16, #tpu.memory_space<vmem>>
      tpu.enqueue_dma source(%dma_start3A_158 : memref<32x64xbf16, #tpu.memory_space<vmem>>) target(%dma_start3A_155 : memref<32x64xbf16, #tpu.memory_space<hbm>>) target_semaphore(%arg11 : memref<!tpu.dma_semaphore, #tpu.memory_space<semaphore_mem>>)
      %mul3A_159 = arith.constant 2 : i32
      %mul3A_160 = arith.muli %scan3A_106, %mul3A_159 : i32
      %add3A_161 = arith.constant 1 : i32
      %add3A_162 = arith.addi %mul3A_160, %add3A_161 : i32
      %add3A_163 = arith.constant 1 : i32
      %add3A_164 = arith.addi %add3A_162, %add3A_163 : i32
      %lt3A_165 = arith.constant 50 : i32
      %lt3A_166 = arith.cmpi slt, %add3A_164, %lt3A_165 : i32
      %convert_element_type3A_167 = arith.extui %lt3A_166 : i1 to i32
      %cond3A_168 = arith.constant 0 : i32
      %cond3A_169 = arith.cmpi ne, %convert_element_type3A_167, %cond3A_168 : i32
      scf.if %cond3A_169 {
        %dma_wait3A_215 = arith.constant 0 : i32
        %dma_wait3A_216 = arith.constant 0 : i32
        %dma_wait3A_217 = arith.constant 0 : i32
        %dma_wait3A_218 = tpu.memref_slice %arg6[%dma_wait3A_216, %dma_wait3A_217] : memref<2x704xi32, #tpu.memory_space<vmem>> -> memref<1x704xi32, #tpu.memory_space<vmem>>
        %dma_wait3A_219 = tpu.memref_squeeze %dma_wait3A_218 : memref<1x704xi32, #tpu.memory_space<vmem>> -> memref<704xi32, #tpu.memory_space<vmem>>
        %dma_wait3A_220 = arith.constant 0 : i32
        %dma_wait3A_221 = tpu.memref_slice %arg2[%dma_wait3A_215, %dma_wait3A_220] : memref<1600x704xi32, #tpu.memory_space<hbm>> -> memref<1x704xi32, #tpu.memory_space<hbm>>
        %dma_wait3A_222 = tpu.memref_squeeze %dma_wait3A_221 : memref<1x704xi32, #tpu.memory_space<hbm>> -> memref<704xi32, #tpu.memory_space<hbm>>
        %dma_wait3A_223 = arith.constant 0 : i32
        %dma_wait3A_224 = tpu.memref_slice %arg6[%dma_wait3A_216, %dma_wait3A_223] : memref<2x704xi32, #tpu.memory_space<vmem>> -> memref<1x704xi32, #tpu.memory_space<vmem>>
        %dma_wait3A_225 = tpu.memref_squeeze %dma_wait3A_224 : memref<1x704xi32, #tpu.memory_space<vmem>> -> memref<704xi32, #tpu.memory_space<vmem>>
        %dma_wait3A_226 = arith.constant 0 : i32
        %dma_wait3A_227 = tpu.memref_slice %arg2[%dma_wait3A_215, %dma_wait3A_226] : memref<1600x704xi32, #tpu.memory_space<hbm>> -> memref<1x704xi32, #tpu.memory_space<hbm>>
        %dma_wait3A_228 = tpu.memref_squeeze %dma_wait3A_227 : memref<1x704xi32, #tpu.memory_space<hbm>> -> memref<704xi32, #tpu.memory_space<hbm>>
        tpu.wait_dma2 semaphore(%arg13 : memref<!tpu.dma_semaphore, #tpu.memory_space<semaphore_mem>>) src(%dma_wait3A_228 : memref<704xi32, #tpu.memory_space<hbm>>) dst(%dma_wait3A_225 : memref<704xi32, #tpu.memory_space<vmem>>)
        %add3A_229 = arith.constant 1 : i32
        %add3A_230 = arith.addi %add3A_162, %add3A_229 : i32
        %dma_start3A_231 = arith.constant 0 : i32
        %dma_start3A_232 = arith.constant 0 : i32
        %dma_start3A_233 = arith.constant 0 : i32
        %dma_start3A_234 = tpu.memref_slice %arg7[%dma_start3A_232, %dma_start3A_233] : memref<1408x64xbf16, #tpu.memory_space<vmem>> -> memref<640x64xbf16, #tpu.memory_space<vmem>>
        %dma_start3A_235 = arith.constant 0 : i32
        %dma_start3A_236 = tpu.memref_slice %arg6[%dma_start3A_231, %dma_start3A_235] : memref<2x704xi32, #tpu.memory_space<vmem>> -> memref<1x640xi32, #tpu.memory_space<vmem>>
        %dma_start3A_237 = tpu.memref_squeeze %dma_start3A_236 : memref<1x640xi32, #tpu.memory_space<vmem>> -> memref<640xi32, #tpu.memory_space<vmem>>
        %dma_start3A_238 = arith.constant 0 : i32
        %dma_start3A_239 = arith.constant 0 : i32
        %dma_start3A_240 = tpu.memref_slice %arg3[%dma_start3A_238, %dma_start3A_239] : memref<100000x64xbf16, #tpu.memory_space<hbm>> -> memref<100000x64xbf16, #tpu.memory_space<hbm>>
        tpu.enqueue_indirect_dma source(%dma_start3A_240 : memref<100000x64xbf16, #tpu.memory_space<hbm>>) target(%dma_start3A_234 : memref<640x64xbf16, #tpu.memory_space<vmem>>) offsets(%dma_start3A_237 : memref<640xi32, #tpu.memory_space<vmem>>) semaphore(%arg9 : memref<!tpu.dma_semaphore, #tpu.memory_space<semaphore_mem>>)
        %dma_start3A_241 = arith.constant 0 : i32
        %dma_start3A_242 = arith.constant 640 : i32
        %dma_start3A_243 = arith.constant 0 : i32
        %dma_start3A_244 = tpu.memref_slice %arg7[%dma_start3A_242, %dma_start3A_243] : memref<1408x64xbf16, #tpu.memory_space<vmem>> -> memref<32x64xbf16, #tpu.memory_space<vmem>>
        %dma_start3A_245 = arith.constant 640 : i32
        %dma_start3A_246 = tpu.memref_slice %arg6[%dma_start3A_241, %dma_start3A_245] : memref<2x704xi32, #tpu.memory_space<vmem>> -> memref<1x32xi32, #tpu.memory_space<vmem>>
        %dma_start3A_247 = tpu.memref_squeeze %dma_start3A_246 : memref<1x32xi32, #tpu.memory_space<vmem>> -> memref<32xi32, #tpu.memory_space<vmem>>
        %dma_start3A_248 = arith.constant 0 : i32
        %dma_start3A_249 = arith.constant 0 : i32
        %dma_start3A_250 = tpu.memref_slice %arg4[%dma_start3A_248, %dma_start3A_249] : memref<548x64xbf16, #tpu.memory_space<hbm>> -> memref<548x64xbf16, #tpu.memory_space<hbm>>
        tpu.enqueue_indirect_dma source(%dma_start3A_250 : memref<548x64xbf16, #tpu.memory_space<hbm>>) target(%dma_start3A_244 : memref<32x64xbf16, #tpu.memory_space<vmem>>) offsets(%dma_start3A_247 : memref<32xi32, #tpu.memory_space<vmem>>) semaphore(%arg9 : memref<!tpu.dma_semaphore, #tpu.memory_space<semaphore_mem>>)
        %dma_start3A_251 = arith.constant 0 : i32
        %dma_start3A_252 = arith.constant 672 : i32
        %dma_start3A_253 = arith.constant 0 : i32
        %dma_start3A_254 = tpu.memref_slice %arg7[%dma_start3A_252, %dma_start3A_253] : memref<1408x64xbf16, #tpu.memory_space<vmem>> -> memref<32x64xbf16, #tpu.memory_space<vmem>>
        %dma_start3A_255 = arith.constant 672 : i32
        %dma_start3A_256 = tpu.memref_slice %arg6[%dma_start3A_251, %dma_start3A_255] : memref<2x704xi32, #tpu.memory_space<vmem>> -> memref<1x32xi32, #tpu.memory_space<vmem>>
        %dma_start3A_257 = tpu.memref_squeeze %dma_start3A_256 : memref<1x32xi32, #tpu.memory_space<vmem>> -> memref<32xi32, #tpu.memory_space<vmem>>
        %dma_start3A_258 = arith.constant 0 : i32
        %dma_start3A_259 = arith.constant 0 : i32
        %dma_start3A_260 = tpu.memref_slice %arg4[%dma_start3A_258, %dma_start3A_259] : memref<548x64xbf16, #tpu.memory_space<hbm>> -> memref<548x64xbf16, #tpu.memory_space<hbm>>
        tpu.enqueue_indirect_dma source(%dma_start3A_260 : memref<548x64xbf16, #tpu.memory_space<hbm>>) target(%dma_start3A_254 : memref<32x64xbf16, #tpu.memory_space<vmem>>) offsets(%dma_start3A_257 : memref<32xi32, #tpu.memory_space<vmem>>) semaphore(%arg9 : memref<!tpu.dma_semaphore, #tpu.memory_space<semaphore_mem>>)
      } else {
      }
      %dma_wait3A_170 = arith.constant 704 : i32
      %dma_wait3A_171 = arith.constant 0 : i32
      %dma_wait3A_172 = tpu.memref_slice %arg7[%dma_wait3A_170, %dma_wait3A_171] : memref<1408x64xbf16, #tpu.memory_space<vmem>> -> memref<704x64xbf16, #tpu.memory_space<vmem>>
      %dma_wait3A_173 = arith.constant 0 : i32
      %dma_wait3A_174 = arith.constant 0 : i32
      %dma_wait3A_175 = tpu.memref_slice %arg3[%dma_wait3A_173, %dma_wait3A_174] : memref<100000x64xbf16, #tpu.memory_space<hbm>> -> memref<704x64xbf16, #tpu.memory_space<hbm>>
      %dma_wait3A_176 = arith.constant 704 : i32
      %dma_wait3A_177 = arith.constant 0 : i32
      %dma_wait3A_178 = tpu.memref_slice %arg7[%dma_wait3A_176, %dma_wait3A_177] : memref<1408x64xbf16, #tpu.memory_space<vmem>> -> memref<704x64xbf16, #tpu.memory_space<vmem>>
      %dma_wait3A_179 = arith.constant 0 : i32
      %dma_wait3A_180 = arith.constant 0 : i32
      %dma_wait3A_181 = tpu.memref_slice %arg3[%dma_wait3A_179, %dma_wait3A_180] : memref<100000x64xbf16, #tpu.memory_space<hbm>> -> memref<704x64xbf16, #tpu.memory_space<hbm>>
      tpu.wait_dma2 semaphore(%arg10 : memref<!tpu.dma_semaphore, #tpu.memory_space<semaphore_mem>>) src(%dma_wait3A_181 : memref<704x64xbf16, #tpu.memory_space<hbm>>) dst(%dma_wait3A_178 : memref<704x64xbf16, #tpu.memory_space<vmem>>)
      %add3A_182 = arith.constant 2 : i32
      %add3A_183 = arith.addi %add3A_162, %add3A_182 : i32
      %lt3A_184 = arith.constant 50 : i32
      %lt3A_185 = arith.cmpi slt, %add3A_183, %lt3A_184 : i32
      %convert_element_type3A_186 = arith.extui %lt3A_185 : i1 to i32
      %cond3A_187 = arith.constant 0 : i32
      %cond3A_188 = arith.cmpi ne, %convert_element_type3A_186, %cond3A_187 : i32
      scf.if %cond3A_188 {
        %add3A_215 = arith.constant 2 : i32
        %add3A_216 = arith.addi %add3A_162, %add3A_215 : i32
        %mul3A_217 = arith.constant 50 : i32
        %mul3A_218 = arith.muli %add3A, %mul3A_217 : i32
        %add3A_219 = arith.addi %mul3A_218, %add3A_216 : i32
        %dma_start3A_220 = arith.constant 1 : i32
        %dma_start3A_221 = arith.constant 0 : i32
        %dma_start3A_222 = tpu.memref_slice %arg6[%dma_start3A_220, %dma_start3A_221] : memref<2x704xi32, #tpu.memory_space<vmem>> -> memref<1x704xi32, #tpu.memory_space<vmem>>
        %dma_start3A_223 = tpu.memref_squeeze %dma_start3A_222 : memref<1x704xi32, #tpu.memory_space<vmem>> -> memref<704xi32, #tpu.memory_space<vmem>>
        %dma_start3A_224 = arith.constant 0 : i32
        %dma_start3A_225 = tpu.memref_slice %arg2[%add3A_219, %dma_start3A_224] : memref<1600x704xi32, #tpu.memory_space<hbm>> -> memref<1x704xi32, #tpu.memory_space<hbm>>
        %dma_start3A_226 = tpu.memref_squeeze %dma_start3A_225 : memref<1x704xi32, #tpu.memory_space<hbm>> -> memref<704xi32, #tpu.memory_space<hbm>>
        %dma_start3A_227 = arith.constant 0 : i32
        %dma_start3A_228 = tpu.memref_slice %arg6[%dma_start3A_220, %dma_start3A_227] : memref<2x704xi32, #tpu.memory_space<vmem>> -> memref<1x704xi32, #tpu.memory_space<vmem>>
        %dma_start3A_229 = tpu.memref_squeeze %dma_start3A_228 : memref<1x704xi32, #tpu.memory_space<vmem>> -> memref<704xi32, #tpu.memory_space<vmem>>
        %dma_start3A_230 = arith.constant 0 : i32
        %dma_start3A_231 = tpu.memref_slice %arg2[%add3A_219, %dma_start3A_230] : memref<1600x704xi32, #tpu.memory_space<hbm>> -> memref<1x704xi32, #tpu.memory_space<hbm>>
        %dma_start3A_232 = tpu.memref_squeeze %dma_start3A_231 : memref<1x704xi32, #tpu.memory_space<hbm>> -> memref<704xi32, #tpu.memory_space<hbm>>
        tpu.enqueue_dma source(%dma_start3A_232 : memref<704xi32, #tpu.memory_space<hbm>>) target(%dma_start3A_229 : memref<704xi32, #tpu.memory_space<vmem>>) target_semaphore(%arg14 : memref<!tpu.dma_semaphore, #tpu.memory_space<semaphore_mem>>)
      } else {
      }
      %ge3A_189 = arith.constant 2 : i32
      %ge3A_190 = arith.cmpi sge, %add3A_162, %ge3A_189 : i32
      %convert_element_type3A_191 = arith.extui %ge3A_190 : i1 to i32
      %cond3A_192 = arith.constant 0 : i32
      %cond3A_193 = arith.cmpi ne, %convert_element_type3A_191, %cond3A_192 : i32
      scf.if %cond3A_193 {
        %mul3A_215 = arith.constant 1600 : i32
        %mul3A_216 = arith.muli %add3A, %mul3A_215 : i32
        %dma_wait3A_217 = arith.constant 32 : i32
        %dma_wait3A_218 = arith.constant 0 : i32
        %dma_wait3A_219 = tpu.memref_slice %arg8[%dma_wait3A_217, %dma_wait3A_218] : memref<64x64xbf16, #tpu.memory_space<vmem>> -> memref<32x64xbf16, #tpu.memory_space<vmem>>
        %dma_wait3A_220 = arith.constant 0 : i32
        %dma_wait3A_221 = tpu.memref_slice %arg5[%mul3A_216, %dma_wait3A_220] : memref<51200x64xbf16, #tpu.memory_space<hbm>> -> memref<32x64xbf16, #tpu.memory_space<hbm>>
        %dma_wait3A_222 = arith.constant 0 : i32
        %dma_wait3A_223 = tpu.memref_slice %arg5[%mul3A_216, %dma_wait3A_222] : memref<51200x64xbf16, #tpu.memory_space<hbm>> -> memref<32x64xbf16, #tpu.memory_space<hbm>>
        %dma_wait3A_224 = arith.constant 32 : i32
        %dma_wait3A_225 = arith.constant 0 : i32
        %dma_wait3A_226 = tpu.memref_slice %arg8[%dma_wait3A_224, %dma_wait3A_225] : memref<64x64xbf16, #tpu.memory_space<vmem>> -> memref<32x64xbf16, #tpu.memory_space<vmem>>
        tpu.wait_dma2 semaphore(%arg12 : memref<!tpu.dma_semaphore, #tpu.memory_space<semaphore_mem>>) src(%dma_wait3A_226 : memref<32x64xbf16, #tpu.memory_space<vmem>>) dst(%dma_wait3A_223 : memref<32x64xbf16, #tpu.memory_space<hbm>>)
      } else {
      }
      %scan3A_194 = arith.constant 0 : i32
      %scan3A_195 = arith.constant 0 : i32
      %scan3A_196 = arith.constant 32 : i32
      %scan3A_197 = arith.addi %scan3A_195, %scan3A_196 : i32
      %scan3A_198 = arith.constant 1 : i32
      scf.for %scan3A_215 = %scan3A_195 to %scan3A_197 step %scan3A_198  : i32 {
        %mul3A_216 = arith.constant 20 : i32
        %mul3A_217 = arith.muli %scan3A_215, %mul3A_216 : i32
        %add3A_218 = arith.constant 704 : i32
        %add3A_219 = arith.addi %add3A_218, %mul3A_217 : i32
        %get3A = arith.index_cast %add3A_219 : i32 to index
        %get3A_220 = arith.constant 0 : index
        %get3A_221 = tpu.vector_load %arg7[%get3A, %get3A_220] {strides = array<i32>} : memref<1408x64xbf16, #tpu.memory_space<vmem>>, vector<1x32xbf16>,
        %get3A_222 = vector.shape_cast %get3A_221 : vector<1x32xbf16> to vector<32xbf16>
        %mul3A_223 = arith.constant 20 : i32
        %mul3A_224 = arith.muli %scan3A_215, %mul3A_223 : i32
        %add3A_225 = arith.constant 704 : i32
        %add3A_226 = arith.addi %add3A_225, %mul3A_224 : i32
        %add3A_227 = arith.constant 1 : i32
        %add3A_228 = arith.addi %add3A_226, %add3A_227 : i32
        %get3A_229 = arith.index_cast %add3A_228 : i32 to index
        %get3A_230 = arith.constant 0 : index
        %get3A_231 = tpu.vector_load %arg7[%get3A_229, %get3A_230] {strides = array<i32>} : memref<1408x64xbf16, #tpu.memory_space<vmem>>, vector<1x32xbf16>,
        %get3A_232 = vector.shape_cast %get3A_231 : vector<1x32xbf16> to vector<32xbf16>
        %add3A_233 = arith.addf %get3A_222, %get3A_232 : vector<32xbf16>
        %mul3A_234 = arith.constant 20 : i32
        %mul3A_235 = arith.muli %scan3A_215, %mul3A_234 : i32
        %add3A_236 = arith.constant 704 : i32
        %add3A_237 = arith.addi %add3A_236, %mul3A_235 : i32
        %add3A_238 = arith.constant 2 : i32
        %add3A_239 = arith.addi %add3A_237, %add3A_238 : i32
        %get3A_240 = arith.index_cast %add3A_239 : i32 to index
        %get3A_241 = arith.constant 0 : index
        %get3A_242 = tpu.vector_load %arg7[%get3A_240, %get3A_241] {strides = array<i32>} : memref<1408x64xbf16, #tpu.memory_space<vmem>>, vector<1x32xbf16>,
        %get3A_243 = vector.shape_cast %get3A_242 : vector<1x32xbf16> to vector<32xbf16>
        %add3A_244 = arith.addf %add3A_233, %get3A_243 : vector<32xbf16>
        %mul3A_245 = arith.constant 20 : i32
        %mul3A_246 = arith.muli %scan3A_215, %mul3A_245 : i32
        %add3A_247 = arith.constant 704 : i32
        %add3A_248 = arith.addi %add3A_247, %mul3A_246 : i32
        %add3A_249 = arith.constant 3 : i32
        %add3A_250 = arith.addi %add3A_248, %add3A_249 : i32
        %get3A_251 = arith.index_cast %add3A_250 : i32 to index
        %get3A_252 = arith.constant 0 : index
        %get3A_253 = tpu.vector_load %arg7[%get3A_251, %get3A_252] {strides = array<i32>} : memref<1408x64xbf16, #tpu.memory_space<vmem>>, vector<1x32xbf16>,
        %get3A_254 = vector.shape_cast %get3A_253 : vector<1x32xbf16> to vector<32xbf16>
        %add3A_255 = arith.addf %add3A_244, %get3A_254 : vector<32xbf16>
        %mul3A_256 = arith.constant 20 : i32
        %mul3A_257 = arith.muli %scan3A_215, %mul3A_256 : i32
        %add3A_258 = arith.constant 704 : i32
        %add3A_259 = arith.addi %add3A_258, %mul3A_257 : i32
        %add3A_260 = arith.constant 4 : i32
        %add3A_261 = arith.addi %add3A_259, %add3A_260 : i32
        %get3A_262 = arith.index_cast %add3A_261 : i32 to index
        %get3A_263 = arith.constant 0 : index
        %get3A_264 = tpu.vector_load %arg7[%get3A_262, %get3A_263] {strides = array<i32>} : memref<1408x64xbf16, #tpu.memory_space<vmem>>, vector<1x32xbf16>,
        %get3A_265 = vector.shape_cast %get3A_264 : vector<1x32xbf16> to vector<32xbf16>
        %add3A_266 = arith.addf %add3A_255, %get3A_265 : vector<32xbf16>
        %mul3A_267 = arith.constant 20 : i32
        %mul3A_268 = arith.muli %scan3A_215, %mul3A_267 : i32
        %add3A_269 = arith.constant 704 : i32
        %add3A_270 = arith.addi %add3A_269, %mul3A_268 : i32
        %add3A_271 = arith.constant 5 : i32
        %add3A_272 = arith.addi %add3A_270, %add3A_271 : i32
        %get3A_273 = arith.index_cast %add3A_272 : i32 to index
        %get3A_274 = arith.constant 0 : index
        %get3A_275 = tpu.vector_load %arg7[%get3A_273, %get3A_274] {strides = array<i32>} : memref<1408x64xbf16, #tpu.memory_space<vmem>>, vector<1x32xbf16>,
        %get3A_276 = vector.shape_cast %get3A_275 : vector<1x32xbf16> to vector<32xbf16>
        %add3A_277 = arith.addf %add3A_266, %get3A_276 : vector<32xbf16>
        %mul3A_278 = arith.constant 20 : i32
        %mul3A_279 = arith.muli %scan3A_215, %mul3A_278 : i32
        %add3A_280 = arith.constant 704 : i32
        %add3A_281 = arith.addi %add3A_280, %mul3A_279 : i32
        %add3A_282 = arith.constant 6 : i32
        %add3A_283 = arith.addi %add3A_281, %add3A_282 : i32
        %get3A_284 = arith.index_cast %add3A_283 : i32 to index
        %get3A_285 = arith.constant 0 : index
        %get3A_286 = tpu.vector_load %arg7[%get3A_284, %get3A_285] {strides = array<i32>} : memref<1408x64xbf16, #tpu.memory_space<vmem>>, vector<1x32xbf16>,
        %get3A_287 = vector.shape_cast %get3A_286 : vector<1x32xbf16> to vector<32xbf16>
        %add3A_288 = arith.addf %add3A_277, %get3A_287 : vector<32xbf16>
        %mul3A_289 = arith.constant 20 : i32
        %mul3A_290 = arith.muli %scan3A_215, %mul3A_289 : i32
        %add3A_291 = arith.constant 704 : i32
        %add3A_292 = arith.addi %add3A_291, %mul3A_290 : i32
        %add3A_293 = arith.constant 7 : i32
        %add3A_294 = arith.addi %add3A_292, %add3A_293 : i32
        %get3A_295 = arith.index_cast %add3A_294 : i32 to index
        %get3A_296 = arith.constant 0 : index
        %get3A_297 = tpu.vector_load %arg7[%get3A_295, %get3A_296] {strides = array<i32>} : memref<1408x64xbf16, #tpu.memory_space<vmem>>, vector<1x32xbf16>,
        %get3A_298 = vector.shape_cast %get3A_297 : vector<1x32xbf16> to vector<32xbf16>
        %add3A_299 = arith.addf %add3A_288, %get3A_298 : vector<32xbf16>
        %mul3A_300 = arith.constant 20 : i32
        %mul3A_301 = arith.muli %scan3A_215, %mul3A_300 : i32
        %add3A_302 = arith.constant 704 : i32
        %add3A_303 = arith.addi %add3A_302, %mul3A_301 : i32
        %add3A_304 = arith.constant 8 : i32
        %add3A_305 = arith.addi %add3A_303, %add3A_304 : i32
        %get3A_306 = arith.index_cast %add3A_305 : i32 to index
        %get3A_307 = arith.constant 0 : index
        %get3A_308 = tpu.vector_load %arg7[%get3A_306, %get3A_307] {strides = array<i32>} : memref<1408x64xbf16, #tpu.memory_space<vmem>>, vector<1x32xbf16>,
        %get3A_309 = vector.shape_cast %get3A_308 : vector<1x32xbf16> to vector<32xbf16>
        %add3A_310 = arith.addf %add3A_299, %get3A_309 : vector<32xbf16>
        %mul3A_311 = arith.constant 20 : i32
        %mul3A_312 = arith.muli %scan3A_215, %mul3A_311 : i32
        %add3A_313 = arith.constant 704 : i32
        %add3A_314 = arith.addi %add3A_313, %mul3A_312 : i32
        %add3A_315 = arith.constant 9 : i32
        %add3A_316 = arith.addi %add3A_314, %add3A_315 : i32
        %get3A_317 = arith.index_cast %add3A_316 : i32 to index
        %get3A_318 = arith.constant 0 : index
        %get3A_319 = tpu.vector_load %arg7[%get3A_317, %get3A_318] {strides = array<i32>} : memref<1408x64xbf16, #tpu.memory_space<vmem>>, vector<1x32xbf16>,
        %get3A_320 = vector.shape_cast %get3A_319 : vector<1x32xbf16> to vector<32xbf16>
        %add3A_321 = arith.addf %add3A_310, %get3A_320 : vector<32xbf16>
        %mul3A_322 = arith.constant 20 : i32
        %mul3A_323 = arith.muli %scan3A_215, %mul3A_322 : i32
        %add3A_324 = arith.constant 704 : i32
        %add3A_325 = arith.addi %add3A_324, %mul3A_323 : i32
        %add3A_326 = arith.constant 10 : i32
        %add3A_327 = arith.addi %add3A_325, %add3A_326 : i32
        %get3A_328 = arith.index_cast %add3A_327 : i32 to index
        %get3A_329 = arith.constant 0 : index
        %get3A_330 = tpu.vector_load %arg7[%get3A_328, %get3A_329] {strides = array<i32>} : memref<1408x64xbf16, #tpu.memory_space<vmem>>, vector<1x32xbf16>,
        %get3A_331 = vector.shape_cast %get3A_330 : vector<1x32xbf16> to vector<32xbf16>
        %add3A_332 = arith.addf %add3A_321, %get3A_331 : vector<32xbf16>
        %mul3A_333 = arith.constant 20 : i32
        %mul3A_334 = arith.muli %scan3A_215, %mul3A_333 : i32
        %add3A_335 = arith.constant 704 : i32
        %add3A_336 = arith.addi %add3A_335, %mul3A_334 : i32
        %add3A_337 = arith.constant 11 : i32
        %add3A_338 = arith.addi %add3A_336, %add3A_337 : i32
        %get3A_339 = arith.index_cast %add3A_338 : i32 to index
        %get3A_340 = arith.constant 0 : index
        %get3A_341 = tpu.vector_load %arg7[%get3A_339, %get3A_340] {strides = array<i32>} : memref<1408x64xbf16, #tpu.memory_space<vmem>>, vector<1x32xbf16>,
        %get3A_342 = vector.shape_cast %get3A_341 : vector<1x32xbf16> to vector<32xbf16>
        %add3A_343 = arith.addf %add3A_332, %get3A_342 : vector<32xbf16>
        %mul3A_344 = arith.constant 20 : i32
        %mul3A_345 = arith.muli %scan3A_215, %mul3A_344 : i32
        %add3A_346 = arith.constant 704 : i32
        %add3A_347 = arith.addi %add3A_346, %mul3A_345 : i32
        %add3A_348 = arith.constant 12 : i32
        %add3A_349 = arith.addi %add3A_347, %add3A_348 : i32
        %get3A_350 = arith.index_cast %add3A_349 : i32 to index
        %get3A_351 = arith.constant 0 : index
        %get3A_352 = tpu.vector_load %arg7[%get3A_350, %get3A_351] {strides = array<i32>} : memref<1408x64xbf16, #tpu.memory_space<vmem>>, vector<1x32xbf16>,
        %get3A_353 = vector.shape_cast %get3A_352 : vector<1x32xbf16> to vector<32xbf16>
        %add3A_354 = arith.addf %add3A_343, %get3A_353 : vector<32xbf16>
        %mul3A_355 = arith.constant 20 : i32
        %mul3A_356 = arith.muli %scan3A_215, %mul3A_355 : i32
        %add3A_357 = arith.constant 704 : i32
        %add3A_358 = arith.addi %add3A_357, %mul3A_356 : i32
        %add3A_359 = arith.constant 13 : i32
        %add3A_360 = arith.addi %add3A_358, %add3A_359 : i32
        %get3A_361 = arith.index_cast %add3A_360 : i32 to index
        %get3A_362 = arith.constant 0 : index
        %get3A_363 = tpu.vector_load %arg7[%get3A_361, %get3A_362] {strides = array<i32>} : memref<1408x64xbf16, #tpu.memory_space<vmem>>, vector<1x32xbf16>,
        %get3A_364 = vector.shape_cast %get3A_363 : vector<1x32xbf16> to vector<32xbf16>
        %add3A_365 = arith.addf %add3A_354, %get3A_364 : vector<32xbf16>
        %mul3A_366 = arith.constant 20 : i32
        %mul3A_367 = arith.muli %scan3A_215, %mul3A_366 : i32
        %add3A_368 = arith.constant 704 : i32
        %add3A_369 = arith.addi %add3A_368, %mul3A_367 : i32
        %add3A_370 = arith.constant 14 : i32
        %add3A_371 = arith.addi %add3A_369, %add3A_370 : i32
        %get3A_372 = arith.index_cast %add3A_371 : i32 to index
        %get3A_373 = arith.constant 0 : index
        %get3A_374 = tpu.vector_load %arg7[%get3A_372, %get3A_373] {strides = array<i32>} : memref<1408x64xbf16, #tpu.memory_space<vmem>>, vector<1x32xbf16>,
        %get3A_375 = vector.shape_cast %get3A_374 : vector<1x32xbf16> to vector<32xbf16>
        %add3A_376 = arith.addf %add3A_365, %get3A_375 : vector<32xbf16>
        %mul3A_377 = arith.constant 20 : i32
        %mul3A_378 = arith.muli %scan3A_215, %mul3A_377 : i32
        %add3A_379 = arith.constant 704 : i32
        %add3A_380 = arith.addi %add3A_379, %mul3A_378 : i32
        %add3A_381 = arith.constant 15 : i32
        %add3A_382 = arith.addi %add3A_380, %add3A_381 : i32
        %get3A_383 = arith.index_cast %add3A_382 : i32 to index
        %get3A_384 = arith.constant 0 : index
        %get3A_385 = tpu.vector_load %arg7[%get3A_383, %get3A_384] {strides = array<i32>} : memref<1408x64xbf16, #tpu.memory_space<vmem>>, vector<1x32xbf16>,
        %get3A_386 = vector.shape_cast %get3A_385 : vector<1x32xbf16> to vector<32xbf16>
        %add3A_387 = arith.addf %add3A_376, %get3A_386 : vector<32xbf16>
        %mul3A_388 = arith.constant 20 : i32
        %mul3A_389 = arith.muli %scan3A_215, %mul3A_388 : i32
        %add3A_390 = arith.constant 704 : i32
        %add3A_391 = arith.addi %add3A_390, %mul3A_389 : i32
        %add3A_392 = arith.constant 16 : i32
        %add3A_393 = arith.addi %add3A_391, %add3A_392 : i32
        %get3A_394 = arith.index_cast %add3A_393 : i32 to index
        %get3A_395 = arith.constant 0 : index
        %get3A_396 = tpu.vector_load %arg7[%get3A_394, %get3A_395] {strides = array<i32>} : memref<1408x64xbf16, #tpu.memory_space<vmem>>, vector<1x32xbf16>,
        %get3A_397 = vector.shape_cast %get3A_396 : vector<1x32xbf16> to vector<32xbf16>
        %add3A_398 = arith.addf %add3A_387, %get3A_397 : vector<32xbf16>
        %mul3A_399 = arith.constant 20 : i32
        %mul3A_400 = arith.muli %scan3A_215, %mul3A_399 : i32
        %add3A_401 = arith.constant 704 : i32
        %add3A_402 = arith.addi %add3A_401, %mul3A_400 : i32
        %add3A_403 = arith.constant 17 : i32
        %add3A_404 = arith.addi %add3A_402, %add3A_403 : i32
        %get3A_405 = arith.index_cast %add3A_404 : i32 to index
        %get3A_406 = arith.constant 0 : index
        %get3A_407 = tpu.vector_load %arg7[%get3A_405, %get3A_406] {strides = array<i32>} : memref<1408x64xbf16, #tpu.memory_space<vmem>>, vector<1x32xbf16>,
        %get3A_408 = vector.shape_cast %get3A_407 : vector<1x32xbf16> to vector<32xbf16>
        %add3A_409 = arith.addf %add3A_398, %get3A_408 : vector<32xbf16>
        %mul3A_410 = arith.constant 20 : i32
        %mul3A_411 = arith.muli %scan3A_215, %mul3A_410 : i32
        %add3A_412 = arith.constant 704 : i32
        %add3A_413 = arith.addi %add3A_412, %mul3A_411 : i32
        %add3A_414 = arith.constant 18 : i32
        %add3A_415 = arith.addi %add3A_413, %add3A_414 : i32
        %get3A_416 = arith.index_cast %add3A_415 : i32 to index
        %get3A_417 = arith.constant 0 : index
        %get3A_418 = tpu.vector_load %arg7[%get3A_416, %get3A_417] {strides = array<i32>} : memref<1408x64xbf16, #tpu.memory_space<vmem>>, vector<1x32xbf16>,
        %get3A_419 = vector.shape_cast %get3A_418 : vector<1x32xbf16> to vector<32xbf16>
        %add3A_420 = arith.addf %add3A_409, %get3A_419 : vector<32xbf16>
        %mul3A_421 = arith.constant 20 : i32
        %mul3A_422 = arith.muli %scan3A_215, %mul3A_421 : i32
        %add3A_423 = arith.constant 704 : i32
        %add3A_424 = arith.addi %add3A_423, %mul3A_422 : i32
        %add3A_425 = arith.constant 19 : i32
        %add3A_426 = arith.addi %add3A_424, %add3A_425 : i32
        %get3A_427 = arith.index_cast %add3A_426 : i32 to index
        %get3A_428 = arith.constant 0 : index
        %get3A_429 = tpu.vector_load %arg7[%get3A_427, %get3A_428] {strides = array<i32>} : memref<1408x64xbf16, #tpu.memory_space<vmem>>, vector<1x32xbf16>,
        %get3A_430 = vector.shape_cast %get3A_429 : vector<1x32xbf16> to vector<32xbf16>
        %add3A_431 = arith.addf %add3A_420, %get3A_430 : vector<32xbf16>
        %mul3A_432 = arith.constant 5.004880e-02 : bf16
        %mul3A_433 = vector.broadcast %mul3A_432 : bf16 to vector<32xbf16>
        %mul3A_434 = arith.mulf %add3A_431, %mul3A_433 : vector<32xbf16>
        %add3A_435 = arith.constant 1344 : i32
        %add3A_436 = arith.addi %add3A_435, %scan3A_215 : i32
        %get3A_437 = arith.index_cast %add3A_436 : i32 to index
        %get3A_438 = arith.constant 0 : index
        %get3A_439 = tpu.vector_load %arg7[%get3A_437, %get3A_438] {strides = array<i32>} : memref<1408x64xbf16, #tpu.memory_space<vmem>>, vector<1x32xbf16>,
        %get3A_440 = vector.shape_cast %get3A_439 : vector<1x32xbf16> to vector<32xbf16>
        %add3A_441 = arith.addf %mul3A_434, %get3A_440 : vector<32xbf16>
        %add3A_442 = arith.constant 1376 : i32
        %add3A_443 = arith.addi %add3A_442, %scan3A_215 : i32
        %get3A_444 = arith.index_cast %add3A_443 : i32 to index
        %get3A_445 = arith.constant 0 : index
        %get3A_446 = tpu.vector_load %arg7[%get3A_444, %get3A_445] {strides = array<i32>} : memref<1408x64xbf16, #tpu.memory_space<vmem>>, vector<1x32xbf16>,
        %get3A_447 = vector.shape_cast %get3A_446 : vector<1x32xbf16> to vector<32xbf16>
        %add3A_448 = arith.addf %add3A_441, %get3A_447 : vector<32xbf16>
        %add3A_449 = arith.constant 32 : i32
        %add3A_450 = arith.addi %add3A_449, %scan3A_215 : i32
        %swap3A = arith.index_cast %add3A_450 : i32 to index
        %swap3A_451 = arith.constant 0 : index
        %swap3A_452 = tpu.vector_load %arg8[%swap3A, %swap3A_451] {strides = array<i32>} : memref<64x64xbf16, #tpu.memory_space<vmem>>, vector<1x32xbf16>,
        %swap3A_453 = vector.shape_cast %swap3A_452 : vector<1x32xbf16> to vector<32xbf16>
        %swap3A_454 = vector.shape_cast %add3A_448 : vector<32xbf16> to vector<1x32xbf16>
        tpu.vector_store %arg8[%swap3A, %swap3A_451], %swap3A_454 {strides = array<i32>} : memref<64x64xbf16, #tpu.memory_space<vmem>>, vector<1x32xbf16>,
        %mul3A_455 = arith.constant 20 : i32
        %mul3A_456 = arith.muli %scan3A_215, %mul3A_455 : i32
        %add3A_457 = arith.constant 704 : i32
        %add3A_458 = arith.addi %add3A_457, %mul3A_456 : i32
        %get3A_459 = arith.index_cast %add3A_458 : i32 to index
        %get3A_460 = arith.constant 32 : index
        %get3A_461 = tpu.vector_load %arg7[%get3A_459, %get3A_460] {strides = array<i32>} : memref<1408x64xbf16, #tpu.memory_space<vmem>>, vector<1x32xbf16>,
        %get3A_462 = vector.shape_cast %get3A_461 : vector<1x32xbf16> to vector<32xbf16>
        %mul3A_463 = arith.constant 20 : i32
        %mul3A_464 = arith.muli %scan3A_215, %mul3A_463 : i32
        %add3A_465 = arith.constant 704 : i32
        %add3A_466 = arith.addi %add3A_465, %mul3A_464 : i32
        %add3A_467 = arith.constant 1 : i32
        %add3A_468 = arith.addi %add3A_466, %add3A_467 : i32
        %get3A_469 = arith.index_cast %add3A_468 : i32 to index
        %get3A_470 = arith.constant 32 : index
        %get3A_471 = tpu.vector_load %arg7[%get3A_469, %get3A_470] {strides = array<i32>} : memref<1408x64xbf16, #tpu.memory_space<vmem>>, vector<1x32xbf16>,
        %get3A_472 = vector.shape_cast %get3A_471 : vector<1x32xbf16> to vector<32xbf16>
        %add3A_473 = arith.addf %get3A_462, %get3A_472 : vector<32xbf16>
        %mul3A_474 = arith.constant 20 : i32
        %mul3A_475 = arith.muli %scan3A_215, %mul3A_474 : i32
        %add3A_476 = arith.constant 704 : i32
        %add3A_477 = arith.addi %add3A_476, %mul3A_475 : i32
        %add3A_478 = arith.constant 2 : i32
        %add3A_479 = arith.addi %add3A_477, %add3A_478 : i32
        %get3A_480 = arith.index_cast %add3A_479 : i32 to index
        %get3A_481 = arith.constant 32 : index
        %get3A_482 = tpu.vector_load %arg7[%get3A_480, %get3A_481] {strides = array<i32>} : memref<1408x64xbf16, #tpu.memory_space<vmem>>, vector<1x32xbf16>,
        %get3A_483 = vector.shape_cast %get3A_482 : vector<1x32xbf16> to vector<32xbf16>
        %add3A_484 = arith.addf %add3A_473, %get3A_483 : vector<32xbf16>
        %mul3A_485 = arith.constant 20 : i32
        %mul3A_486 = arith.muli %scan3A_215, %mul3A_485 : i32
        %add3A_487 = arith.constant 704 : i32
        %add3A_488 = arith.addi %add3A_487, %mul3A_486 : i32
        %add3A_489 = arith.constant 3 : i32
        %add3A_490 = arith.addi %add3A_488, %add3A_489 : i32
        %get3A_491 = arith.index_cast %add3A_490 : i32 to index
        %get3A_492 = arith.constant 32 : index
        %get3A_493 = tpu.vector_load %arg7[%get3A_491, %get3A_492] {strides = array<i32>} : memref<1408x64xbf16, #tpu.memory_space<vmem>>, vector<1x32xbf16>,
        %get3A_494 = vector.shape_cast %get3A_493 : vector<1x32xbf16> to vector<32xbf16>
        %add3A_495 = arith.addf %add3A_484, %get3A_494 : vector<32xbf16>
        %mul3A_496 = arith.constant 20 : i32
        %mul3A_497 = arith.muli %scan3A_215, %mul3A_496 : i32
        %add3A_498 = arith.constant 704 : i32
        %add3A_499 = arith.addi %add3A_498, %mul3A_497 : i32
        %add3A_500 = arith.constant 4 : i32
        %add3A_501 = arith.addi %add3A_499, %add3A_500 : i32
        %get3A_502 = arith.index_cast %add3A_501 : i32 to index
        %get3A_503 = arith.constant 32 : index
        %get3A_504 = tpu.vector_load %arg7[%get3A_502, %get3A_503] {strides = array<i32>} : memref<1408x64xbf16, #tpu.memory_space<vmem>>, vector<1x32xbf16>,
        %get3A_505 = vector.shape_cast %get3A_504 : vector<1x32xbf16> to vector<32xbf16>
        %add3A_506 = arith.addf %add3A_495, %get3A_505 : vector<32xbf16>
        %mul3A_507 = arith.constant 20 : i32
        %mul3A_508 = arith.muli %scan3A_215, %mul3A_507 : i32
        %add3A_509 = arith.constant 704 : i32
        %add3A_510 = arith.addi %add3A_509, %mul3A_508 : i32
        %add3A_511 = arith.constant 5 : i32
        %add3A_512 = arith.addi %add3A_510, %add3A_511 : i32
        %get3A_513 = arith.index_cast %add3A_512 : i32 to index
        %get3A_514 = arith.constant 32 : index
        %get3A_515 = tpu.vector_load %arg7[%get3A_513, %get3A_514] {strides = array<i32>} : memref<1408x64xbf16, #tpu.memory_space<vmem>>, vector<1x32xbf16>,
        %get3A_516 = vector.shape_cast %get3A_515 : vector<1x32xbf16> to vector<32xbf16>
        %add3A_517 = arith.addf %add3A_506, %get3A_516 : vector<32xbf16>
        %mul3A_518 = arith.constant 20 : i32
        %mul3A_519 = arith.muli %scan3A_215, %mul3A_518 : i32
        %add3A_520 = arith.constant 704 : i32
        %add3A_521 = arith.addi %add3A_520, %mul3A_519 : i32
        %add3A_522 = arith.constant 6 : i32
        %add3A_523 = arith.addi %add3A_521, %add3A_522 : i32
        %get3A_524 = arith.index_cast %add3A_523 : i32 to index
        %get3A_525 = arith.constant 32 : index
        %get3A_526 = tpu.vector_load %arg7[%get3A_524, %get3A_525] {strides = array<i32>} : memref<1408x64xbf16, #tpu.memory_space<vmem>>, vector<1x32xbf16>,
        %get3A_527 = vector.shape_cast %get3A_526 : vector<1x32xbf16> to vector<32xbf16>
        %add3A_528 = arith.addf %add3A_517, %get3A_527 : vector<32xbf16>
        %mul3A_529 = arith.constant 20 : i32
        %mul3A_530 = arith.muli %scan3A_215, %mul3A_529 : i32
        %add3A_531 = arith.constant 704 : i32
        %add3A_532 = arith.addi %add3A_531, %mul3A_530 : i32
        %add3A_533 = arith.constant 7 : i32
        %add3A_534 = arith.addi %add3A_532, %add3A_533 : i32
        %get3A_535 = arith.index_cast %add3A_534 : i32 to index
        %get3A_536 = arith.constant 32 : index
        %get3A_537 = tpu.vector_load %arg7[%get3A_535, %get3A_536] {strides = array<i32>} : memref<1408x64xbf16, #tpu.memory_space<vmem>>, vector<1x32xbf16>,
        %get3A_538 = vector.shape_cast %get3A_537 : vector<1x32xbf16> to vector<32xbf16>
        %add3A_539 = arith.addf %add3A_528, %get3A_538 : vector<32xbf16>
        %mul3A_540 = arith.constant 20 : i32
        %mul3A_541 = arith.muli %scan3A_215, %mul3A_540 : i32
        %add3A_542 = arith.constant 704 : i32
        %add3A_543 = arith.addi %add3A_542, %mul3A_541 : i32
        %add3A_544 = arith.constant 8 : i32
        %add3A_545 = arith.addi %add3A_543, %add3A_544 : i32
        %get3A_546 = arith.index_cast %add3A_545 : i32 to index
        %get3A_547 = arith.constant 32 : index
        %get3A_548 = tpu.vector_load %arg7[%get3A_546, %get3A_547] {strides = array<i32>} : memref<1408x64xbf16, #tpu.memory_space<vmem>>, vector<1x32xbf16>,
        %get3A_549 = vector.shape_cast %get3A_548 : vector<1x32xbf16> to vector<32xbf16>
        %add3A_550 = arith.addf %add3A_539, %get3A_549 : vector<32xbf16>
        %mul3A_551 = arith.constant 20 : i32
        %mul3A_552 = arith.muli %scan3A_215, %mul3A_551 : i32
        %add3A_553 = arith.constant 704 : i32
        %add3A_554 = arith.addi %add3A_553, %mul3A_552 : i32
        %add3A_555 = arith.constant 9 : i32
        %add3A_556 = arith.addi %add3A_554, %add3A_555 : i32
        %get3A_557 = arith.index_cast %add3A_556 : i32 to index
        %get3A_558 = arith.constant 32 : index
        %get3A_559 = tpu.vector_load %arg7[%get3A_557, %get3A_558] {strides = array<i32>} : memref<1408x64xbf16, #tpu.memory_space<vmem>>, vector<1x32xbf16>,
        %get3A_560 = vector.shape_cast %get3A_559 : vector<1x32xbf16> to vector<32xbf16>
        %add3A_561 = arith.addf %add3A_550, %get3A_560 : vector<32xbf16>
        %mul3A_562 = arith.constant 20 : i32
        %mul3A_563 = arith.muli %scan3A_215, %mul3A_562 : i32
        %add3A_564 = arith.constant 704 : i32
        %add3A_565 = arith.addi %add3A_564, %mul3A_563 : i32
        %add3A_566 = arith.constant 10 : i32
        %add3A_567 = arith.addi %add3A_565, %add3A_566 : i32
        %get3A_568 = arith.index_cast %add3A_567 : i32 to index
        %get3A_569 = arith.constant 32 : index
        %get3A_570 = tpu.vector_load %arg7[%get3A_568, %get3A_569] {strides = array<i32>} : memref<1408x64xbf16, #tpu.memory_space<vmem>>, vector<1x32xbf16>,
        %get3A_571 = vector.shape_cast %get3A_570 : vector<1x32xbf16> to vector<32xbf16>
        %add3A_572 = arith.addf %add3A_561, %get3A_571 : vector<32xbf16>
        %mul3A_573 = arith.constant 20 : i32
        %mul3A_574 = arith.muli %scan3A_215, %mul3A_573 : i32
        %add3A_575 = arith.constant 704 : i32
        %add3A_576 = arith.addi %add3A_575, %mul3A_574 : i32
        %add3A_577 = arith.constant 11 : i32
        %add3A_578 = arith.addi %add3A_576, %add3A_577 : i32
        %get3A_579 = arith.index_cast %add3A_578 : i32 to index
        %get3A_580 = arith.constant 32 : index
        %get3A_581 = tpu.vector_load %arg7[%get3A_579, %get3A_580] {strides = array<i32>} : memref<1408x64xbf16, #tpu.memory_space<vmem>>, vector<1x32xbf16>,
        %get3A_582 = vector.shape_cast %get3A_581 : vector<1x32xbf16> to vector<32xbf16>
        %add3A_583 = arith.addf %add3A_572, %get3A_582 : vector<32xbf16>
        %mul3A_584 = arith.constant 20 : i32
        %mul3A_585 = arith.muli %scan3A_215, %mul3A_584 : i32
        %add3A_586 = arith.constant 704 : i32
        %add3A_587 = arith.addi %add3A_586, %mul3A_585 : i32
        %add3A_588 = arith.constant 12 : i32
        %add3A_589 = arith.addi %add3A_587, %add3A_588 : i32
        %get3A_590 = arith.index_cast %add3A_589 : i32 to index
        %get3A_591 = arith.constant 32 : index
        %get3A_592 = tpu.vector_load %arg7[%get3A_590, %get3A_591] {strides = array<i32>} : memref<1408x64xbf16, #tpu.memory_space<vmem>>, vector<1x32xbf16>,
        %get3A_593 = vector.shape_cast %get3A_592 : vector<1x32xbf16> to vector<32xbf16>
        %add3A_594 = arith.addf %add3A_583, %get3A_593 : vector<32xbf16>
        %mul3A_595 = arith.constant 20 : i32
        %mul3A_596 = arith.muli %scan3A_215, %mul3A_595 : i32
        %add3A_597 = arith.constant 704 : i32
        %add3A_598 = arith.addi %add3A_597, %mul3A_596 : i32
        %add3A_599 = arith.constant 13 : i32
        %add3A_600 = arith.addi %add3A_598, %add3A_599 : i32
        %get3A_601 = arith.index_cast %add3A_600 : i32 to index
        %get3A_602 = arith.constant 32 : index
        %get3A_603 = tpu.vector_load %arg7[%get3A_601, %get3A_602] {strides = array<i32>} : memref<1408x64xbf16, #tpu.memory_space<vmem>>, vector<1x32xbf16>,
        %get3A_604 = vector.shape_cast %get3A_603 : vector<1x32xbf16> to vector<32xbf16>
        %add3A_605 = arith.addf %add3A_594, %get3A_604 : vector<32xbf16>
        %mul3A_606 = arith.constant 20 : i32
        %mul3A_607 = arith.muli %scan3A_215, %mul3A_606 : i32
        %add3A_608 = arith.constant 704 : i32
        %add3A_609 = arith.addi %add3A_608, %mul3A_607 : i32
        %add3A_610 = arith.constant 14 : i32
        %add3A_611 = arith.addi %add3A_609, %add3A_610 : i32
        %get3A_612 = arith.index_cast %add3A_611 : i32 to index
        %get3A_613 = arith.constant 32 : index
        %get3A_614 = tpu.vector_load %arg7[%get3A_612, %get3A_613] {strides = array<i32>} : memref<1408x64xbf16, #tpu.memory_space<vmem>>, vector<1x32xbf16>,
        %get3A_615 = vector.shape_cast %get3A_614 : vector<1x32xbf16> to vector<32xbf16>
        %add3A_616 = arith.addf %add3A_605, %get3A_615 : vector<32xbf16>
        %mul3A_617 = arith.constant 20 : i32
        %mul3A_618 = arith.muli %scan3A_215, %mul3A_617 : i32
        %add3A_619 = arith.constant 704 : i32
        %add3A_620 = arith.addi %add3A_619, %mul3A_618 : i32
        %add3A_621 = arith.constant 15 : i32
        %add3A_622 = arith.addi %add3A_620, %add3A_621 : i32
        %get3A_623 = arith.index_cast %add3A_622 : i32 to index
        %get3A_624 = arith.constant 32 : index
        %get3A_625 = tpu.vector_load %arg7[%get3A_623, %get3A_624] {strides = array<i32>} : memref<1408x64xbf16, #tpu.memory_space<vmem>>, vector<1x32xbf16>,
        %get3A_626 = vector.shape_cast %get3A_625 : vector<1x32xbf16> to vector<32xbf16>
        %add3A_627 = arith.addf %add3A_616, %get3A_626 : vector<32xbf16>
        %mul3A_628 = arith.constant 20 : i32
        %mul3A_629 = arith.muli %scan3A_215, %mul3A_628 : i32
        %add3A_630 = arith.constant 704 : i32
        %add3A_631 = arith.addi %add3A_630, %mul3A_629 : i32
        %add3A_632 = arith.constant 16 : i32
        %add3A_633 = arith.addi %add3A_631, %add3A_632 : i32
        %get3A_634 = arith.index_cast %add3A_633 : i32 to index
        %get3A_635 = arith.constant 32 : index
        %get3A_636 = tpu.vector_load %arg7[%get3A_634, %get3A_635] {strides = array<i32>} : memref<1408x64xbf16, #tpu.memory_space<vmem>>, vector<1x32xbf16>,
        %get3A_637 = vector.shape_cast %get3A_636 : vector<1x32xbf16> to vector<32xbf16>
        %add3A_638 = arith.addf %add3A_627, %get3A_637 : vector<32xbf16>
        %mul3A_639 = arith.constant 20 : i32
        %mul3A_640 = arith.muli %scan3A_215, %mul3A_639 : i32
        %add3A_641 = arith.constant 704 : i32
        %add3A_642 = arith.addi %add3A_641, %mul3A_640 : i32
        %add3A_643 = arith.constant 17 : i32
        %add3A_644 = arith.addi %add3A_642, %add3A_643 : i32
        %get3A_645 = arith.index_cast %add3A_644 : i32 to index
        %get3A_646 = arith.constant 32 : index
        %get3A_647 = tpu.vector_load %arg7[%get3A_645, %get3A_646] {strides = array<i32>} : memref<1408x64xbf16, #tpu.memory_space<vmem>>, vector<1x32xbf16>,
        %get3A_648 = vector.shape_cast %get3A_647 : vector<1x32xbf16> to vector<32xbf16>
        %add3A_649 = arith.addf %add3A_638, %get3A_648 : vector<32xbf16>
        %mul3A_650 = arith.constant 20 : i32
        %mul3A_651 = arith.muli %scan3A_215, %mul3A_650 : i32
        %add3A_652 = arith.constant 704 : i32
        %add3A_653 = arith.addi %add3A_652, %mul3A_651 : i32
        %add3A_654 = arith.constant 18 : i32
        %add3A_655 = arith.addi %add3A_653, %add3A_654 : i32
        %get3A_656 = arith.index_cast %add3A_655 : i32 to index
        %get3A_657 = arith.constant 32 : index
        %get3A_658 = tpu.vector_load %arg7[%get3A_656, %get3A_657] {strides = array<i32>} : memref<1408x64xbf16, #tpu.memory_space<vmem>>, vector<1x32xbf16>,
        %get3A_659 = vector.shape_cast %get3A_658 : vector<1x32xbf16> to vector<32xbf16>
        %add3A_660 = arith.addf %add3A_649, %get3A_659 : vector<32xbf16>
        %mul3A_661 = arith.constant 20 : i32
        %mul3A_662 = arith.muli %scan3A_215, %mul3A_661 : i32
        %add3A_663 = arith.constant 704 : i32
        %add3A_664 = arith.addi %add3A_663, %mul3A_662 : i32
        %add3A_665 = arith.constant 19 : i32
        %add3A_666 = arith.addi %add3A_664, %add3A_665 : i32
        %get3A_667 = arith.index_cast %add3A_666 : i32 to index
        %get3A_668 = arith.constant 32 : index
        %get3A_669 = tpu.vector_load %arg7[%get3A_667, %get3A_668] {strides = array<i32>} : memref<1408x64xbf16, #tpu.memory_space<vmem>>, vector<1x32xbf16>,
        %get3A_670 = vector.shape_cast %get3A_669 : vector<1x32xbf16> to vector<32xbf16>
        %add3A_671 = arith.addf %add3A_660, %get3A_670 : vector<32xbf16>
        %mul3A_672 = arith.constant 5.004880e-02 : bf16
        %mul3A_673 = vector.broadcast %mul3A_672 : bf16 to vector<32xbf16>
        %mul3A_674 = arith.mulf %add3A_671, %mul3A_673 : vector<32xbf16>
        %add3A_675 = arith.constant 1344 : i32
        %add3A_676 = arith.addi %add3A_675, %scan3A_215 : i32
        %get3A_677 = arith.index_cast %add3A_676 : i32 to index
        %get3A_678 = arith.constant 32 : index
        %get3A_679 = tpu.vector_load %arg7[%get3A_677, %get3A_678] {strides = array<i32>} : memref<1408x64xbf16, #tpu.memory_space<vmem>>, vector<1x32xbf16>,
        %get3A_680 = vector.shape_cast %get3A_679 : vector<1x32xbf16> to vector<32xbf16>
        %add3A_681 = arith.addf %mul3A_674, %get3A_680 : vector<32xbf16>
        %add3A_682 = arith.constant 1376 : i32
        %add3A_683 = arith.addi %add3A_682, %scan3A_215 : i32
        %get3A_684 = arith.index_cast %add3A_683 : i32 to index
        %get3A_685 = arith.constant 32 : index
        %get3A_686 = tpu.vector_load %arg7[%get3A_684, %get3A_685] {strides = array<i32>} : memref<1408x64xbf16, #tpu.memory_space<vmem>>, vector<1x32xbf16>,
        %get3A_687 = vector.shape_cast %get3A_686 : vector<1x32xbf16> to vector<32xbf16>
        %add3A_688 = arith.addf %add3A_681, %get3A_687 : vector<32xbf16>
        %add3A_689 = arith.constant 32 : i32
        %add3A_690 = arith.addi %add3A_689, %scan3A_215 : i32
        %swap3A_691 = arith.index_cast %add3A_690 : i32 to index
        %swap3A_692 = arith.constant 32 : index
        %swap3A_693 = tpu.vector_load %arg8[%swap3A_691, %swap3A_692] {strides = array<i32>} : memref<64x64xbf16, #tpu.memory_space<vmem>>, vector<1x32xbf16>,
        %swap3A_694 = vector.shape_cast %swap3A_693 : vector<1x32xbf16> to vector<32xbf16>
        %swap3A_695 = vector.shape_cast %add3A_688 : vector<32xbf16> to vector<1x32xbf16>
        tpu.vector_store %arg8[%swap3A_691, %swap3A_692], %swap3A_695 {strides = array<i32>} : memref<64x64xbf16, #tpu.memory_space<vmem>>, vector<1x32xbf16>,
      }
      %scan3A_199 = arith.constant 32 : i32
      %mul3A_200 = arith.constant 1600 : i32
      %mul3A_201 = arith.muli %add3A, %mul3A_200 : i32
      %mul3A_202 = arith.constant 32 : i32
      %mul3A_203 = arith.muli %add3A_162, %mul3A_202 : i32
      %add3A_204 = arith.addi %mul3A_201, %mul3A_203 : i32
      %dma_start3A_205 = arith.constant 32 : i32
      %dma_start3A_206 = arith.constant 0 : i32
      %dma_start3A_207 = tpu.memref_slice %arg8[%dma_start3A_205, %dma_start3A_206] : memref<64x64xbf16, #tpu.memory_space<vmem>> -> memref<32x64xbf16, #tpu.memory_space<vmem>>
      %dma_start3A_208 = arith.constant 0 : i32
      %dma_start3A_209 = tpu.memref_slice %arg5[%add3A_204, %dma_start3A_208] : memref<51200x64xbf16, #tpu.memory_space<hbm>> -> memref<32x64xbf16, #tpu.memory_space<hbm>>
      %dma_start3A_210 = arith.constant 0 : i32
      %dma_start3A_211 = tpu.memref_slice %arg5[%add3A_204, %dma_start3A_210] : memref<51200x64xbf16, #tpu.memory_space<hbm>> -> memref<32x64xbf16, #tpu.memory_space<hbm>>
      %dma_start3A_212 = arith.constant 32 : i32
      %dma_start3A_213 = arith.constant 0 : i32
      %dma_start3A_214 = tpu.memref_slice %arg8[%dma_start3A_212, %dma_start3A_213] : memref<64x64xbf16, #tpu.memory_space<vmem>> -> memref<32x64xbf16, #tpu.memory_space<vmem>>
      tpu.enqueue_dma source(%dma_start3A_214 : memref<32x64xbf16, #tpu.memory_space<vmem>>) target(%dma_start3A_211 : memref<32x64xbf16, #tpu.memory_space<hbm>>) target_semaphore(%arg12 : memref<!tpu.dma_semaphore, #tpu.memory_space<semaphore_mem>>)
    }
    %scan3A_81 = arith.constant 25 : i32
    %mul3A_82 = arith.constant 1600 : i32
    %mul3A_83 = arith.muli %add3A, %mul3A_82 : i32
    %dma_wait3A_84 = arith.constant 0 : i32
    %dma_wait3A_85 = arith.constant 0 : i32
    %dma_wait3A_86 = tpu.memref_slice %arg8[%dma_wait3A_84, %dma_wait3A_85] : memref<64x64xbf16, #tpu.memory_space<vmem>> -> memref<32x64xbf16, #tpu.memory_space<vmem>>
    %dma_wait3A_87 = arith.constant 0 : i32
    %dma_wait3A_88 = tpu.memref_slice %arg5[%mul3A_83, %dma_wait3A_87] : memref<51200x64xbf16, #tpu.memory_space<hbm>> -> memref<32x64xbf16, #tpu.memory_space<hbm>>
    %dma_wait3A_89 = arith.constant 0 : i32
    %dma_wait3A_90 = tpu.memref_slice %arg5[%mul3A_83, %dma_wait3A_89] : memref<51200x64xbf16, #tpu.memory_space<hbm>> -> memref<32x64xbf16, #tpu.memory_space<hbm>>
    %dma_wait3A_91 = arith.constant 0 : i32
    %dma_wait3A_92 = arith.constant 0 : i32
    %dma_wait3A_93 = tpu.memref_slice %arg8[%dma_wait3A_91, %dma_wait3A_92] : memref<64x64xbf16, #tpu.memory_space<vmem>> -> memref<32x64xbf16, #tpu.memory_space<vmem>>
    tpu.wait_dma2 semaphore(%arg11 : memref<!tpu.dma_semaphore, #tpu.memory_space<semaphore_mem>>) src(%dma_wait3A_93 : memref<32x64xbf16, #tpu.memory_space<vmem>>) dst(%dma_wait3A_90 : memref<32x64xbf16, #tpu.memory_space<hbm>>)
    %mul3A_94 = arith.constant 1600 : i32
    %mul3A_95 = arith.muli %add3A, %mul3A_94 : i32
    %dma_wait3A_96 = arith.constant 32 : i32
    %dma_wait3A_97 = arith.constant 0 : i32
    %dma_wait3A_98 = tpu.memref_slice %arg8[%dma_wait3A_96, %dma_wait3A_97] : memref<64x64xbf16, #tpu.memory_space<vmem>> -> memref<32x64xbf16, #tpu.memory_space<vmem>>
    %dma_wait3A_99 = arith.constant 0 : i32
    %dma_wait3A_100 = tpu.memref_slice %arg5[%mul3A_95, %dma_wait3A_99] : memref<51200x64xbf16, #tpu.memory_space<hbm>> -> memref<32x64xbf16, #tpu.memory_space<hbm>>
    %dma_wait3A_101 = arith.constant 0 : i32
    %dma_wait3A_102 = tpu.memref_slice %arg5[%mul3A_95, %dma_wait3A_101] : memref<51200x64xbf16, #tpu.memory_space<hbm>> -> memref<32x64xbf16, #tpu.memory_space<hbm>>
    %dma_wait3A_103 = arith.constant 32 : i32
    %dma_wait3A_104 = arith.constant 0 : i32
    %dma_wait3A_105 = tpu.memref_slice %arg8[%dma_wait3A_103, %dma_wait3A_104] : memref<64x64xbf16, #tpu.memory_space<vmem>> -> memref<32x64xbf16, #tpu.memory_space<vmem>>
    tpu.wait_dma2 semaphore(%arg12 : memref<!tpu.dma_semaphore, #tpu.memory_space<semaphore_mem>>) src(%dma_wait3A_105 : memref<32x64xbf16, #tpu.memory_space<vmem>>) dst(%dma_wait3A_102 : memref<32x64xbf16, #tpu.memory_space<hbm>>)
    return
  }
}

module attributes {stable_mosaic.version = 14 : i64} {
  func.func @_ln_mm_body(%arg0: i32, %arg1: memref<3200x64xbf16, #tpu.memory_space<vmem>>, %arg2: memref<50x64xf32, #tpu.memory_space<vmem>>, %arg3: memref<1x64xf32, #tpu.memory_space<vmem>>, %arg4: memref<1x64xf32, #tpu.memory_space<vmem>>, %arg5: memref<64x64xf32, #tpu.memory_space<vmem>>, %arg6: memref<1x64xf32, #tpu.memory_space<vmem>>, %arg7: memref<64x50x64xf32, #tpu.memory_space<vmem>>) attributes {dimension_semantics = [#tpu.dimension_semantics<arbitrary>], iteration_bounds = array<i64: 16>, scalar_prefetch = 0 : i64, scratch_operands = 0 : i64, tpu.core_type = #tpu.core_type<tc>, window_params = [{transform_indices = @transform_0, window_bounds = array<i64: 3200, 64>}, {pipeline_mode = #tpu.pipeline_mode<synchronous>, transform_indices = @transform_1, window_bounds = array<i64: 50, 64>}, {pipeline_mode = #tpu.pipeline_mode<synchronous>, transform_indices = @transform_2, window_bounds = array<i64: 1, 64>}, {pipeline_mode = #tpu.pipeline_mode<synchronous>, transform_indices = @transform_3, window_bounds = array<i64: 1, 64>}, {pipeline_mode = #tpu.pipeline_mode<synchronous>, transform_indices = @transform_4, window_bounds = array<i64: 64, 64>}, {pipeline_mode = #tpu.pipeline_mode<synchronous>, transform_indices = @transform_5, window_bounds = array<i64: 1, 64>}, {transform_indices = @transform_6, window_bounds = array<i64: 64, 50, 64>}]} {
    %get3A = arith.constant 0 : index
    %get3A_0 = arith.constant 0 : index
    %get3A_1 = vector.load %arg1[%get3A, %get3A_0] : memref<3200x64xbf16, #tpu.memory_space<vmem>>, vector<3200x64xbf16>
    %convert_element_type3A = arith.extf %get3A_1 : vector<3200x64xbf16> to vector<3200x64xf32>
    %get3A_2 = arith.constant 0 : index
    %get3A_3 = arith.constant 0 : index
    %get3A_4 = vector.load %arg2[%get3A_2, %get3A_3] : memref<50x64xf32, #tpu.memory_space<vmem>>, vector<50x64xf32>
    %broadcast_in_dim3A = vector.shape_cast %get3A_4 : vector<50x64xf32> to vector<1x50x64xf32>
    %broadcast_in_dim3A_5 = vector.shape_cast %broadcast_in_dim3A : vector<1x50x64xf32> to vector<1x50x64xf32>
    %broadcast_in_dim3A_6 = vector.broadcast %broadcast_in_dim3A_5 : vector<1x50x64xf32> to vector<64x50x64xf32>
    %reshape3A = vector.shape_cast %broadcast_in_dim3A_6 : vector<64x50x64xf32> to vector<3200x64xf32>
    %add3A = arith.addf %convert_element_type3A, %reshape3A : vector<3200x64xf32>
    %reduce_sum3A = arith.constant dense<0.000000e+00> : vector<3200xf32>
    %reduce_sum3A_7 = vector.multi_reduction <add>, %add3A, %reduce_sum3A [1] : vector<3200x64xf32> to vector<3200xf32>
    %broadcast_in_dim3A_8 = vector.shape_cast %reduce_sum3A_7 : vector<3200xf32> to vector<3200x1xf32>
    %div3A = arith.constant 6.400000e+01 : f32
    %div3A_9 = vector.broadcast %div3A : f32 to vector<3200x1xf32>
    %div3A_10 = arith.divf %broadcast_in_dim3A_8, %div3A_9 : vector<3200x1xf32>
    %sub3A = vector.broadcast %div3A_10 : vector<3200x1xf32> to vector<3200x64xf32>
    %sub3A_11 = arith.subf %add3A, %sub3A : vector<3200x64xf32>
    %mul3A = arith.mulf %sub3A_11, %sub3A_11 : vector<3200x64xf32>
    %reduce_sum3A_12 = arith.constant dense<0.000000e+00> : vector<3200xf32>
    %reduce_sum3A_13 = vector.multi_reduction <add>, %mul3A, %reduce_sum3A_12 [1] : vector<3200x64xf32> to vector<3200xf32>
    %broadcast_in_dim3A_14 = vector.shape_cast %reduce_sum3A_13 : vector<3200xf32> to vector<3200x1xf32>
    %div3A_15 = arith.constant 6.400000e+01 : f32
    %div3A_16 = vector.broadcast %div3A_15 : f32 to vector<3200x1xf32>
    %div3A_17 = arith.divf %broadcast_in_dim3A_14, %div3A_16 : vector<3200x1xf32>
    %add3A_18 = arith.constant 9.99999974E-6 : f32
    %add3A_19 = vector.broadcast %add3A_18 : f32 to vector<3200x1xf32>
    %add3A_20 = arith.addf %div3A_17, %add3A_19 : vector<3200x1xf32>
    %rsqrt3A = math.rsqrt %add3A_20 : vector<3200x1xf32>
    %mul3A_21 = vector.broadcast %rsqrt3A : vector<3200x1xf32> to vector<3200x64xf32>
    %mul3A_22 = arith.mulf %sub3A_11, %mul3A_21 : vector<3200x64xf32>
    %get3A_23 = arith.constant 0 : index
    %get3A_24 = arith.constant 0 : index
    %get3A_25 = vector.load %arg3[%get3A_23, %get3A_24] : memref<1x64xf32, #tpu.memory_space<vmem>>, vector<1x64xf32>
    %mul3A_26 = vector.broadcast %get3A_25 : vector<1x64xf32> to vector<3200x64xf32>
    %mul3A_27 = arith.mulf %mul3A_22, %mul3A_26 : vector<3200x64xf32>
    %get3A_28 = arith.constant 0 : index
    %get3A_29 = arith.constant 0 : index
    %get3A_30 = vector.load %arg4[%get3A_28, %get3A_29] : memref<1x64xf32, #tpu.memory_space<vmem>>, vector<1x64xf32>
    %add3A_31 = vector.broadcast %get3A_30 : vector<1x64xf32> to vector<3200x64xf32>
    %add3A_32 = arith.addf %mul3A_27, %add3A_31 : vector<3200x64xf32>
    %get3A_33 = arith.constant 0 : index
    %get3A_34 = arith.constant 0 : index
    %get3A_35 = vector.load %arg5[%get3A_33, %get3A_34] : memref<64x64xf32, #tpu.memory_space<vmem>>, vector<64x64xf32>
    %dot_general3A = arith.constant dense<0.000000e+00> : vector<3200x64xf32>
    %dot_general3A_36 = tpu.matmul %add3A_32, %get3A_35, %dot_general3A {dimension_numbers = #tpu.dot_dimension_numbers<[1], [1], [0], [0], [0, 0, 1, 0], [], []>, transpose_lhs_hint = false} : vector<3200x64xf32>, vector<64x64xf32>, vector<3200x64xf32> -> vector<3200x64xf32>
    %get3A_37 = arith.constant 0 : index
    %get3A_38 = arith.constant 0 : index
    %get3A_39 = vector.load %arg6[%get3A_37, %get3A_38] : memref<1x64xf32, #tpu.memory_space<vmem>>, vector<1x64xf32>
    %add3A_40 = vector.broadcast %get3A_39 : vector<1x64xf32> to vector<3200x64xf32>
    %add3A_41 = arith.addf %dot_general3A_36, %add3A_40 : vector<3200x64xf32>
    %reshape3A_42 = vector.shape_cast %add3A_41 : vector<3200x64xf32> to vector<64x50x64xf32>
    %swap3A = arith.constant 0 : index
    %swap3A_43 = arith.constant 0 : index
    %swap3A_44 = arith.constant 0 : index
    %swap3A_45 = vector.load %arg7[%swap3A, %swap3A_43, %swap3A_44] : memref<64x50x64xf32, #tpu.memory_space<vmem>>, vector<64x50x64xf32>
    tpu.vector_store %arg7[%swap3A, %swap3A_43, %swap3A_44], %reshape3A_42 {strides = array<i32>} : memref<64x50x64xf32, #tpu.memory_space<vmem>>, vector<64x50x64xf32>,
    return
  }
  func.func @transform_0(%arg0: i32) -> (i32, i32) {
    %c0_i32 = arith.constant 0 : i32
    %c0_i32_0 = arith.constant 0 : i32
    return %arg0, %c0_i32 : i32, i32
  }
  func.func @transform_1(%arg0: i32) -> (i32, i32) {
    %c0_i32 = arith.constant 0 : i32
    %c0_i32_0 = arith.constant 0 : i32
    %c0_i32_1 = arith.constant 0 : i32
    return %c0_i32, %c0_i32_0 : i32, i32
  }
  func.func @transform_2(%arg0: i32) -> (i32, i32) {
    %c0_i32 = arith.constant 0 : i32
    %c0_i32_0 = arith.constant 0 : i32
    %c0_i32_1 = arith.constant 0 : i32
    return %c0_i32, %c0_i32_0 : i32, i32
  }
  func.func @transform_3(%arg0: i32) -> (i32, i32) {
    %c0_i32 = arith.constant 0 : i32
    %c0_i32_0 = arith.constant 0 : i32
    %c0_i32_1 = arith.constant 0 : i32
    return %c0_i32, %c0_i32_0 : i32, i32
  }
  func.func @transform_4(%arg0: i32) -> (i32, i32) {
    %c0_i32 = arith.constant 0 : i32
    %c0_i32_0 = arith.constant 0 : i32
    %c0_i32_1 = arith.constant 0 : i32
    return %c0_i32, %c0_i32_0 : i32, i32
  }
  func.func @transform_5(%arg0: i32) -> (i32, i32) {
    %c0_i32 = arith.constant 0 : i32
    %c0_i32_0 = arith.constant 0 : i32
    %c0_i32_1 = arith.constant 0 : i32
    return %c0_i32, %c0_i32_0 : i32, i32
  }
  func.func @transform_6(%arg0: i32) -> (i32, i32, i32) {
    %c0_i32 = arith.constant 0 : i32
    %c0_i32_0 = arith.constant 0 : i32
    %c0_i32_1 = arith.constant 0 : i32
    return %arg0, %c0_i32, %c0_i32_0 : i32, i32, i32
  }
}

</mosaic_0001>

<sc_bundles>
// kernel: kernel.4.cloned.1.call-start
scs
__scs_entry_jumppad:
0x0: {  	(pc) =	sbr.rel $0x88, $3  }
0x1: {  	(tag) =	ssettag $0x0;
	lr =	simm.s32 $0x1  }
0x2: {  	[smem:$0x3F92] =	sst lr;
	_ =	strace $0xD0000000  }
0x3: {  	_ = 	snop  }
0x4: {  	_ = 	snop  }
0x5: {  	_ = 	snop  }
0x6: {  	_ = 	snop  }
0x7: {  	_ = 	snop  }
__scs_overlays_trampoline_lowered:
0x8: {  	[smem:$0x3FA1] =	sst s0  }
0x9: {  	[smem:$0x3FA2] =	sst s1  }
0xa: {  	[smem:$0x3FA3] =	sst s2  }
0xb: {  	[smem:$0x3FA4] =	sst s3  }
0xc: {  	[smem:$0x3FA5] =	sst s4  }
0xd: {  	[smem:$0x3FA6] =	sst s5  }
0xe: {  	[smem:$0x3FA7] =	sst s6  }
0xf: {  	[smem:$0x3FA8] =	sst s7  }
0x10: {  	[smem:$0x3FA9] =	sst s8  }
0x11: {  	[smem:$0x3FAA] =	sst s9;
	s0 =	simm.s32 @!p0 $0x0  }
0x12: {  	s1 =	sld [smem:$0x3F90];
	s0 =	simm.s32 @p0 $0x1  }
0x13: {  	[smem:$0x3FAB] =	sst s0;
	s0 =	simm.s32 @!p1 $0x0  }
0x14: {  	s2 =	sld [smem:$0x3F8F];
	s0 =	simm.s32 @p1 $0x1  }
0x15: {  	[smem:$0x3FAC] =	sst s0;
	s0 =	simm.s32 @!p2 $0x0  }
0x16: {  	s3 =	sld [smem:$0x3FDB];
	s0 =	simm.s32 @p2 $0x1  }
0x17: {  	s4 =	simm.s32 $0x1BF5;
	[smem:$0x3FAE] =	sst s0  }
0x18: {  	s0 =	sld [smem:$0x3F91];
	_ =	swait.ge [sflag:s4], $0x0  }
0x19: {  	s7 =	sld [smem:$0x3F92]  }
0x1a: {  	s8 =	sadd.s32 $0xFFFFE003, lr  }
0x1b: {  	s9 =	sadd.s32 $0xFFFFFEF7, lr;
	s5 =	simm.s32 $0xFFFFFFFF;
	p2 =	slt.u32 s8, $0xFFFFF086  }
0x1c: {  	p1 =	slt.u32 s9, $0xF7A;
	s5 =	simm.s32 @!p2 $0x0  }
0x1d: {  	s5 =	simm.s32 @p1 $0x1;
	p0 =	seq.s32 s7, s2  }
0x1e: {  	s7 =	smul.u32 @!p0 $0xF7A, s2;
	p2 =	seq.s32 @!p0 s5, $0x0  }
0x1f: {  	s9 =	smul.u32 $0xF7A, s1;
	s8 =	simm.s32 @!p0 $0x1BF5;
	p2 =	por !p2, p0  }
0x20: {  	[sflag:s8] =	ssyncset.s32 @!p0 $0xFFFFF086;
	s6 =	sadd.s32 @!p0 s3, s7;
	s7 =	simm.s32 @!p0 $0x108  }
0x21: {  	s3 =	sadd.s32 s3, s9;
	s6 =	sadd.s32 @!p0 $0x88, s6;
	s7 =	simm.s32 @p2 $0x1082  }
0x22: {  	[simem:s7], [sflag:s8] =	dma.local @!p0 [hbm:s6], $0xF7A  }
0x23: {  	s9 =	sor.u32 $0xD0000000, s2;
	s6 =	simm.s32 $0x108;
	_ =	swait.ge @!p0 [sflag:s8], $0x0  }
0x24: {  	s3 =	sadd.s32 $0x88, s3;
	s6 =	simm.s32 @!p1 $0x1082;
	[sflag:s4] =	ssyncset.s32 $0xFFFFF086  }
0x25: {  	[simem:s6], [sflag:s4] =	dma.local [hbm:s3], $0xF7A  }
0x26: {  	[smem:$0x3F92] =	sst s1;
	(tag) =	ssettag s2;
	_ =	strace s9  }
0x27: {  	s1 =	sld [smem:$0x3FA2]  }
0x28: {  	s2 =	sld [smem:$0x3FA3]  }
0x29: {  	s4 =	sld [smem:$0x3FA5]  }
0x2a: {  	p0 =	seq.s32 s5, $0x0;
	s5 =	sld [smem:$0x3FA6]  }
0x2b: {  	s6 =	sld [smem:$0x3FA7]  }
0x2c: {  	s7 =	sld [smem:$0x3FA8]  }
0x2d: {  	s3 =	simm.s32 $0x108;
	s8 =	sld [smem:$0x3FA9]  }
0x2e: {  	s3 =	simm.s32 @!p0 $0x1082;
	s9 =	sld [smem:$0x3FAA]  }
0x2f: {  	lr =	sadd.s32 s0, s3;
	s0 =	sld [smem:$0x3FA1]  }
0x30: {  	s3 =	sld [smem:$0x3FA4]  }
0x31: {  	[smem:$0x3FAD] =	sst s10  }
0x32: {  	s10 =	sld [smem:$0x3FAB];
	_ =	sdelay $0x3  }
0x33: {  	p0 =	seq.s32 s10, $0x1;
	s10 =	sld [smem:$0x3FAD];
	_ =	sdelay $0x3  }
0x34: {  	[smem:$0x3FAD] =	sst s10  }
0x35: {  	s10 =	sld [smem:$0x3FAC];
	_ =	sdelay $0x3  }
0x36: {  	p1 =	seq.s32 s10, $0x1;
	s10 =	sld [smem:$0x3FAD];
	_ =	sdelay $0x3  }
0x37: {  	[smem:$0x3FAD] =	sst s10  }
0x38: {  	s10 =	sld [smem:$0x3FAE]  }
0x39: {  	_ = 	snop;
	(pc) =	sbr.ind lr, $3  }
0x3a: {  	_ = 	snop  }
0x3b: {  	_ = 	snop  }
0x3c: {  	p2 =	seq.s32 s10, $0x1;
	s10 =	sld [smem:$0x3FAD]  }
0x3d: {  	_ =	shalt  }
0x3e: {  	_ =	shalt  }
0x3f: {  	_ =	shalt  }
0x40: {  	_ =	shalt  }
0x41: {  	_ =	shalt  }
0x42: {  	_ =	shalt  }
0x43: {  	_ =	shalt  }
0x44: {  	_ =	shalt  }
0x45: {  	_ =	shalt  }
0x46: {  	_ =	shalt  }
0x47: {  	_ =	shalt  }
0x48: {  	_ =	shalt  }
0x49: {  	_ =	shalt  }
0x4a: {  	_ =	shalt  }
0x4b: {  	_ =	shalt  }
0x4c: {  	_ =	shalt  }
0x4d: {  	_ =	shalt  }
0x4e: {  	_ =	shalt  }
0x4f: {  	_ =	shalt  }
0x50: {  	_ =	shalt  }
0x51: {  	_ =	shalt  }
0x52: {  	_ =	shalt  }
0x53: {  	_ =	shalt  }
0x54: {  	_ =	shalt  }
0x55: {  	_ =	shalt  }
0x56: {  	_ =	shalt  }
0x57: {  	_ =	shalt  }
0x58: {  	_ =	shalt  }
0x59: {  	_ =	shalt  }
0x5a: {  	_ =	shalt  }
0x5b: {  	_ =	shalt  }
0x5c: {  	_ =	shalt  }
0x5d: {  	_ =	shalt  }
0x5e: {  	_ =	shalt  }
0x5f: {  	_ =	shalt  }
0x60: {  	_ =	shalt  }
0x61: {  	_ =	shalt  }
0x62: {  	_ =	shalt  }
0x63: {  	_ =	shalt  }
0x64: {  	_ =	shalt  }
0x65: {  	_ =	shalt  }
0x66: {  	_ =	shalt  }
0x67: {  	_ =	shalt  }
0x68: {  	_ =	shalt  }
0x69: {  	_ =	shalt  }
0x6a: {  	_ =	shalt  }
0x6b: {  	_ =	shalt  }
0x6c: {  	_ =	shalt  }
0x6d: {  	_ =	shalt  }
0x6e: {  	_ =	shalt  }
0x6f: {  	_ =	shalt  }
0x70: {  	_ =	shalt  }
0x71: {  	_ =	shalt  }
0x72: {  	_ =	shalt  }
0x73: {  	_ =	shalt  }
0x74: {  	_ =	shalt  }
0x75: {  	_ =	shalt  }
0x76: {  	_ =	shalt  }
0x77: {  	_ =	shalt  }
0x78: {  	_ =	shalt  }
0x79: {  	_ =	shalt  }
0x7a: {  	_ =	shalt  }
0x7b: {  	_ =	shalt  }
0x7c: {  	_ =	shalt  }
0x7d: {  	_ =	shalt  }
0x7e: {  	_ =	shalt  }
0x7f: {  	_ =	shalt  }
0x80: {  	_ =	shalt  }
0x81: {  	_ =	shalt  }
0x82: {  	_ =	shalt  }
0x83: {  	_ =	shalt  }
0x84: {  	_ =	shalt  }
0x85: {  	_ =	shalt  }
0x86: {  	_ =	shalt  }
0x87: {  	_ =	shalt  }
.Lfunc_end0:
.L_simem_size_0:
called_computation_lowered:
.L_overlay_start_0:
0x88: {  	s2 =	sld [smem:$0x3FD9]  }
0x89: {  	s3 =	sld [smem:$0x3FFE];
	_ =	sdelay $0x1  }
0x8a: {  	s1 =	srdreg.scid  }
0x8b: {  	s0 =	sand.u32 $0x1, s1  }
0x8c: {  	s14 =	sshll.u32 s0, $0xA;
	s2 =	sadd.s32 s3, s2  }
0x8d: {  	s2 =	sadd.s32 s2, s14  }
0x8e: {  	[smem:$0x3FB9] =	sst s2  }
0x8f: {  	_ = 	snop  }
0x90: {  	s2 =	sld [smem:$0x3FD0];
	_ =	sdelay $0x2  }
0x91: {  	s15 =	simm.s32 $0xA;
	s4 =	simm.s32 $0x10  }
0x92: {  	[smem:s4], [sflag:s15] =	dma.local [hbm:s2], $0x1  }
0x93: {  	_ =	swait.eq [sflag:s15], $0x1  }
0x94: {  	[sflag:s15] =	ssyncset.done $0x0  }
0x95: {  	[sflag:s15] =	ssyncadd.s32 $0xFFFFFFFF  }
0x96: {  	s16 =	sld [smem:$0x10];
	(tm) =	ssettm $0x1  }
0x97: {  	s17 =	sld [smem:$0x3FFB];
	_ =	sdelay $0x3  }
0x98: {  	_ =	strace s17  }
0x99: {  	s3 =	sld [smem:$0x3FFC];
	_ =	sdelay $0x3  }
0x9a: {  	_ =	strace s3  }
0x9b: {  	s3 =	sld [smem:$0x3FFD];
	_ =	sdelay $0x3  }
0x9c: {  	_ =	strace s3  }
0x9d: {  	_ =	strace $0x8FFFFFFF  }
0x9e: {  	s18 =	sld [smem:$0x3FDB];
	_ =	sdelay $0x1  }
0x9f: {  	s19 =	simm.s32 $_scs_section_size  }
0xa0: {  	s5 =	simm.s32 $_size__tile_overlayer_lowered;
	s6 =	simm.s32 $_tile_overlayer_lowered  }
0xa1: {  	s22 =	simm.s32 $0x1BFF;
	s21 =	sshll.u32 s6, $0x1;
	s3 =	sadd.s32 s19, s18  }
0xa2: {  	s7 =	simm.s32 $0x0;
	s20 =	sshll.u32 s5, $0x1;
	s5 =	sadd.s32 s21, s3  }
0xa3: {  	[timem:s7], [sflag:s22] =	dma.local [hbm:s5], s20  }
0xa4: {  	_ =	swait.ge [sflag:s22], s20  }
0xa5: {  	s4 =	ssub.s32 $0x0, s20;
	[sflag:s22] =	ssyncset.done $0x0  }
0xa6: {  	[sflag:s22] =	ssyncadd.s32 s4;
	_ =	sdelay $0x1  }
0xa7: {  	s23 =	simm.s32 $0x1B8B  }
0xa8: {  	_ =	swait.ge [sflag:s23], $0x1  }
0xa9: {  	[sflag:s23] =	ssyncset.done $0x0  }
0xaa: {  	s25 =	simm.s32 $0x1B8E;
	s24 =	sld [smem:$0x3FFE];
	[sflag:s23] =	ssyncadd.s32 $0xFFFFFFFF  }
0xab: {  	s26 =	simm.s32 $execute0_lowered;
	[smem:$0x3FD2] =	sst s25  }
0xac: {  	s5 =	sshll.u32 s26, $0x1;
	_ =	strace $0x80000046;
	[dreg:$0x1] =	wrdreg $0xFFFFFFFF  }
0xad: {  	s28 =	simm.s32 $_size_execute0_lowered;
	s3 =	sadd.s32 s3, s5;
	[dreg:$0x0] =	wrdreg $0x0  }
0xae: {  	s5 =	sshll.u32 s28, $0x1;
	[dreg:$0x2] =	wrdreg s3  }
0xaf: {  	[dreg:$0x3] =	wrdreg s5  }
0xb0: {  	[dreg:$0x4] =	wrdreg $0xC0  }
0xb1: {  	_ =	task [dreg:s7], $0x5FFFF  }
0xb2: {  	[dreg:$0x1] =	wrdreg $0xFFFFFFFF  }
0xb3: {  	[dreg:$0x0] =	wrdreg $0x60  }
0xb4: {  	[dreg:$0x2] =	wrdreg s24  }
0xb5: {  	[dreg:$0x3] =	wrdreg s16  }
0xb6: {  	[dreg:$0x4] =	wrdreg $0x9  }
0xb7: {  	_ =	task.clear_ibuf [dreg:s7], $0x5FFFF;
	_ =	strace $0x90000046  }
0xb8: {  	s29 =	simm.s32 $0x9;
	_ =	strace $0x80000048  }
0xb9: {  	_ =	swait.ge [sflag:s29], $0x1  }
0xba: {  	[sflag:s29] =	ssyncadd.s32 $0xFFFFFFFF  }
0xbb: {  	_ =	strace $0x90000048  }
0xbc: {  	_ =	sfence  }
0xbd: {  	s30 =	sld [smem:$0x0];
	_ =	sdelay $0x2  }
0xbe: {  	s31 =	sshll.u32 s1, $0xD;
	s1 =	sshrl.u32 s1, $0x2  }
0xbf: {  	s3 =	sand.u32 $0x4000, s31;
	s1 =	sadd.s32 s1, s30  }
0xc0: {  	s0 =	sor.u32 s3, s0;
	s1 =	sshll.u32 s1, $0x11  }
0xc1: {  	s0 =	sor.u32 s1, s0  }
0xc2: {  	s0 =	sadd.s32 $0x8F2B, s0  }
0xc3: {  	[sflag:s0] =	ssyncadd.remote.s32 $0x1  }
0xc4: {  	_ =	sfence.sel $0xFFFF  }
0xc5: {  	[dreg:$0x0] =	wrdreg $0xFFFFFFFF;
	(pc) =	sbr.abs _section_cstart, $3  }
0xc6: {  	[dreg:$0x1] =	wrdreg $0xFFFFFFFF  }
0xc7: {  	_ =	task.clear_ibuf [dreg:s7], $0x2FFFF;
	_ =	strace $0x9FFFFFFF  }
0xc8: {  	(tm) =	ssettm $0x7FFFFFFF  }
0xc9: {  	_ =	shalt  }
tec
execute0_lowered:
.L_overlay_start_1:
0x0: {  	(tag) =	ssettag $0x1  }
0x1: {  	s0 =	rddreg [dreg:$0x0]  }
0x2: {  	s2 =	rddreg [dreg:$0x1];
	s3 =	simm.s32 $0x0  }
0x3: {  	s1 =	srdreg.scid;
	s4 =	stileid.u32;
	s14 =	simm.s32 $0x5  }
0x4: {  	s15 =	simm.s32 $0x280;
	s17 =	simm.s32 $0x20;
	s21 =	simm.s32 $0x2C0  }
0x5: {  	s22 =	simm.s32 $0x6;
	s23 =	simm.s32 $0x5D80;
	s28 =	simm.s32 $0xB180  }
0x6: {  	s29 =	simm.s32 $0x1;
	s30 =	simm.s32 $0xB580;
	s31 =	simm.s32 $0x2  }
0x7: {  	s13 =	simm.s32 $0x0;
	s1 =	sand.u32 $0x1, s1;
	s4 =	sshll.u32 s4, $0x1  }
0x8: {  	[smem:$0x7FF] =	sst s3;
	s5 =	sadd.s32 $0x23C00, s0;
	s7 =	sor.u32 s1, s4  }
0x9: {  	s6 =	sadd.s32 $0x24600, s0;
	_ =	strace $0x80000047;
	s8 =	smul.u32 $0x8980, s7  }
0xa: {  	s4 =	sadd.s32 $0x1600, s0;
	s24 =	ssub.s32 $0x2, s1;
	s25 =	smul.u32 $0x32, s7  }
0xb: {  	s1 =	simm.s32 $0xB980;
	s9 =	sshrl.u32 s24, $0x1;
	s10 =	smul.u32 $0x1130, s7  }
0xc: {  	s7 =	smul.u32 $0x19000, s7;
	s0 =	ssub.s32 s24, s9;
	s24 =	simm.s32 $0x540  }
0xd: {  	s8 =	sshrl.u32 s8, $0x3;
	s26 =	sadd.s32 s4, s10;
	s10 =	sadd.s32 $0x2, s25  }
0xe: {  	s11 =	sadd.s32 $0x3, s25;
	s12 =	sor.u32 $0x800, s7;
	s0 =	smax.u32 s0, $0x1  }
0xf: {  	s25 =	simm.s32 $0xAD80;
	s8 =	sadd.s32 s4, s8;
	[dreg:$0x3] =	wrdreg s26  }
0x10: {  	[dreg:$0x5] =	wrdreg s0;
	s26 =	simm.s32 $0x560;
	s8 =	sadd.s32 $0x58, s8  }
0x11: {  	v0 =	vimm.bf16 $5.0050e-02;
	s0 =	simm.s32 $0x4;
	[dreg:$0x4] =	wrdreg s8;
	s8 =	simm.s32 $0x3  }
.LBB2_1:
0x12: {  	[dreg:$0x6] =	wrdreg s13  }
0x13: {  	s9 =	rddreg [dreg:$0x3]  }
0x14: {  	[tilespmem:s3], [sflag:$0x5] =	stream.linear.gather [hbm4b:s9+s3], $0x2C0, $0x38;
	[tilespmem:$0xBD80] =	vst v63  }
0x15: {  	_ =	swait.ge [sflag:s14], $0x2C0  }
0x16: {  	[sflag:s14] =	ssyncset.done $0x0  }
0x17: {  	s13 =	simm.s32 $0x580;
	[sflag:s14] =	ssyncadd.s32 $0xFFFFFD40  }
0x18: {  	[tilespmem:s13], [sflag:$0x1] =	stream.indirect.gather [hbm4b:s2+s15], $0x20, s3, s15, $0xb8;
	[tilespmem:$0xBD80] =	vst v63  }
0x19: {  	s16 =	simm.s32 $0x5580  }
0x1a: {  	[tilespmem:s16], [sflag:$0x1] =	stream.indirect.gather [hbm4b:s5+s17], $0x20, s15, s17, $0xb8;
	[tilespmem:$0xBD80] =	vst v63  }
0x1b: {  	s18 =	simm.s32 $0x2A0;
	s19 =	simm.s32 $0x5980  }
0x1c: {  	[tilespmem:s19], [sflag:$0x1] =	stream.indirect.gather [hbm4b:s5+s17], $0x20, s18, s17, $0xb8;
	[tilespmem:$0xBD80] =	vst v63  }
0x1d: {  	s20 =	rddreg [dreg:$0x4];
	s13 =	simm.s32 $0x0  }
0x1e: {  	[tilespmem:s21], [sflag:$0x6] =	stream.linear.gather [hbm4b:s20+s3], $0x2C0, $0x38;
	[tilespmem:$0xBD80] =	vst v63  }
.LBB2_2:
0x1f: {  	_ =	swait.ge [sflag:s22], $0x2C0  }
0x20: {  	[sflag:s22] =	ssyncset.done $0x0  }
0x21: {  	p0 =	seq.s32 s13, $0x18;
	[sflag:s22] =	ssyncadd.s32 $0xFFFFFD40  }
0x22: {  	[tilespmem:s23], [sflag:$0x2] =	stream.indirect.gather [hbm4b:s2+s15], $0x20, s21, s15, $0xb8;
	[tilespmem:$0xBD80] =	vst v63  }
0x23: {  	p1 =	seq.s32 @!p0 s13, $0x0  }
0x24: {  	[tilespmem:s25], [sflag:$0x2] =	stream.indirect.gather [hbm4b:s5+s17], $0x20, s24, s17, $0xb8;
	[tilespmem:$0xBD80] =	vst v63  }
0x25: {  	s9 =	sshll.u32 s13, $0x1;
	p1 =	por p0, !p1  }
0x26: {  	[tilespmem:s28], [sflag:$0x2] =	stream.indirect.gather [hbm4b:s5+s17], $0x20, s26, s17, $0xb8;
	[tilespmem:$0xBD80] =	vst v63  }
.Ltmp0:
0x27: {  	s16 =	sadd.s32 @!p0 s9, s10;
	(pc) =	sbr.rel @!p1 .LBB2_3-.Ltmp0, $4  }
0x28: {  	s16 =	smul.u32 @!p0 $0x58, s16;
	_ =	swait.ge [sflag:s29], $0x5800  }
0x29: {  	[sflag:s29] =	ssyncset.done $0x0  }
0x2a: {  	s18 =	simm.s32 @!p0 $0x0;
	s16 =	sadd.s32 @!p0 s4, s16;
	[sflag:s29] =	ssyncadd.s32 $0xFFFFA800  }
0x2b: {  	[tilespmem:s18], [sflag:$0x5] =	stream.linear.gather @!p0 [hbm4b:s16+s18], $0x2C0, $0x38;
	[tilespmem:$0xBD80] =	vst v63  }
.Ltmp1:
0x2c: {  	(pc) =	sbr.rel .LBB2_5-.Ltmp1, $4  }
0x2d: {  	_ = 	snop  }
0x2e: {  	_ =	swait.ge [sflag:s8], $0x400  }
0x2f: {  	[sflag:s8] =	ssyncset.done $0x0  }
0x30: {  	p0 =	por $0x0, $0x0;
	[sflag:s8] =	ssyncadd.s32 $0xFFFFFC00  }
.LBB2_3:
0x31: {  	p0 =	por @!p0 $0x1, $0x1  }
.LBB2_5:
0x32: {  	s16 =	simm.s32 $0x6C0  }
0x33: {  	v1 =	vld [tilespmem:s16+$0xFFFFFEC0]  }
0x34: {  	v2 =	vld [tilespmem:s16+$0xFFFFFEE0];
	_ =	sdelay $0x1  }
0x35: {  	v3 =	vld [tilespmem:s16+$0xFFFFFF00];
	_ =	sdelay $0x1  }
0x36: {  	v4 =	vld [tilespmem:s16+$0xFFFFFF20]  }
0x37: {  	v1 =	vadd.bf16 v2, v1  }
0x38: {  	v2 =	vld [tilespmem:s16+$0xFFFFFF40]  }
0x39: {  	v1 =	vadd.bf16 v3, v1  }
0x3a: {  	v3 =	vld [tilespmem:s16+$0xFFFFFF60]  }
0x3b: {  	v1 =	vadd.bf16 v4, v1  }
0x3c: {  	v53 =	vld [tilespmem:s16+$0xFFFFFF80]  }
0x3d: {  	v1 =	vadd.bf16 v2, v1  }
0x3e: {  	v2 =	vld [tilespmem:s16+$0xFFFFFFA0]  }
0x3f: {  	v1 =	vadd.bf16 v3, v1  }
0x40: {  	v3 =	vld [tilespmem:s16+$0xFFFFFFC0]  }
0x41: {  	v1 =	vadd.bf16 v53, v1  }
0x42: {  	v54 =	vld [tilespmem:s16+$0xFFFFFFE0]  }
0x43: {  	v1 =	vadd.bf16 v2, v1  }
0x44: {  	v2 =	vld [tilespmem:s16+$0x0]  }
0x45: {  	v1 =	vadd.bf16 v3, v1  }
0x46: {  	v3 =	vld [tilespmem:s16+$0x20]  }
0x47: {  	v1 =	vadd.bf16 v54, v1  }
0x48: {  	v55 =	vld [tilespmem:s16+$0x40]  }
0x49: {  	v1 =	vadd.bf16 v2, v1  }
0x4a: {  	v2 =	vld [tilespmem:s16+$0x60]  }
0x4b: {  	v1 =	vadd.bf16 v3, v1  }
0x4c: {  	v3 =	vld [tilespmem:s16+$0x80]  }
0x4d: {  	v1 =	vadd.bf16 v55, v1  }
0x4e: {  	v56 =	vld [tilespmem:s16+$0xA0]  }
0x4f: {  	v1 =	vadd.bf16 v2, v1  }
0x50: {  	v2 =	vld [tilespmem:s16+$0xC0]  }
0x51: {  	v1 =	vadd.bf16 v3, v1  }
0x52: {  	v3 =	vld [tilespmem:s16+$0xE0]  }
0x53: {  	v1 =	vadd.bf16 v56, v1  }
0x54: {  	v57 =	vld [tilespmem:s16+$0x100]  }
0x55: {  	v1 =	vadd.bf16 v2, v1  }
0x56: {  	v2 =	vld [tilespmem:s16+$0x120]  }
0x57: {  	v1 =	vadd.bf16 v3, v1;
	_ =	sdelay $0x1  }
0x58: {  	s19 =	simm.s32 $0x0;
	v1 =	vadd.bf16 v57, v1  }
0x59: {  	v3 =	vld [tilespmem:s19+$0x5580]  }
0x5a: {  	v1 =	vadd.bf16 v2, v1  }
0x5b: {  	v2 =	vld [tilespmem:s19+$0x5980]  }
0x5c: {  	v1 =	vmul.bf16 v0, v1;
	_ =	sdelay $0x1  }
0x5d: {  	v1 =	vadd.bf16 v1, v3;
	_ =	sdelay $0x1  }
0x5e: {  	v1 =	vadd.bf16 v1, v2;
	_ =	sdelay $0x1  }
0x5f: {  	[tilespmem:s19+$0xB580] =	vst v1  }
0x60: {  	v1 =	vld [tilespmem:s16+$0xFFFFFEF0]  }
0x61: {  	v2 =	vld [tilespmem:s16+$0xFFFFFED0];
	_ =	sdelay $0x1  }
0x62: {  	v3 =	vld [tilespmem:s16+$0xFFFFFF10];
	_ =	sdelay $0x1  }
0x63: {  	v58 =	vld [tilespmem:s16+$0xFFFFFF30]  }
0x64: {  	v1 =	vadd.bf16 v1, v2  }
0x65: {  	v2 =	vld [tilespmem:s16+$0xFFFFFF50]  }
0x66: {  	v1 =	vadd.bf16 v3, v1  }
0x67: {  	v3 =	vld [tilespmem:s16+$0xFFFFFF70]  }
0x68: {  	v1 =	vadd.bf16 v58, v1  }
0x69: {  	v59 =	vld [tilespmem:s16+$0xFFFFFF90]  }
0x6a: {  	v1 =	vadd.bf16 v2, v1  }
0x6b: {  	v2 =	vld [tilespmem:s16+$0xFFFFFFB0]  }
0x6c: {  	v1 =	vadd.bf16 v3, v1  }
0x6d: {  	v3 =	vld [tilespmem:s16+$0xFFFFFFD0]  }
0x6e: {  	v1 =	vadd.bf16 v59, v1  }
0x6f: {  	v60 =	vld [tilespmem:s16+$0xFFFFFFF0]  }
0x70: {  	v1 =	vadd.bf16 v2, v1  }
0x71: {  	v2 =	vld [tilespmem:s16+$0x10]  }
0x72: {  	v1 =	vadd.bf16 v3, v1  }
0x73: {  	v3 =	vld [tilespmem:s16+$0x30]  }
0x74: {  	v1 =	vadd.bf16 v60, v1  }
0x75: {  	v61 =	vld [tilespmem:s16+$0x50]  }
0x76: {  	v1 =	vadd.bf16 v2, v1  }
0x77: {  	v2 =	vld [tilespmem:s16+$0x70]  }
0x78: {  	v1 =	vadd.bf16 v3, v1  }
0x79: {  	v3 =	vld [tilespmem:s16+$0x90]  }
0x7a: {  	v1 =	vadd.bf16 v61, v1  }
0x7b: {  	v62 =	vld [tilespmem:s16+$0xB0]  }
0x7c: {  	v1 =	vadd.bf16 v2, v1  }
0x7d: {  	v2 =	vld [tilespmem:s16+$0xD0]  }
0x7e: {  	v1 =	vadd.bf16 v3, v1  }
0x7f: {  	v3 =	vld [tilespmem:s16+$0xF0]  }
0x80: {  	v1 =	vadd.bf16 v62, v1  }
0x81: {  	v63 =	vld [tilespmem:s16+$0x110]  }
0x82: {  	v1 =	vadd.bf16 v2, v1  }
0x83: {  	v2 =	vld [tilespmem:s16+$0x130]  }
0x84: {  	v1 =	vadd.bf16 v3, v1;
	_ =	sdelay $0x1  }
0x85: {  	v1 =	vadd.bf16 v63, v1  }
0x86: {  	v3 =	vld [tilespmem:s19+$0x5590]  }
0x87: {  	v1 =	vadd.bf16 v2, v1  }
0x88: {  	v2 =	vld [tilespmem:s19+$0x5990]  }
0x89: {  	v1 =	vmul.bf16 v0, v1;
	_ =	sdelay $0x1  }
0x8a: {  	v1 =	vadd.bf16 v1, v3;
	_ =	sdelay $0x1  }
0x8b: {  	s18 =	simm.s32 $0x80;
	v1 =	vadd.bf16 v1, v2  }
.LBB2_6:
0x8c: {  	p1 =	sne.s32 s18, $0xF80  }
0x8d: {  	s16 =	sadd.s32 $0x280, s16;
	s20 =	smov.u32 s18;
	s18 =	sadd.s32 $0x80, s18  }
0x8e: {  	[tilespmem:s19+$0xB590] =	vst v1  }
0x8f: {  	v1 =	vld [tilespmem:s16+$0xFFFFFEC0]  }
0x90: {  	v2 =	vld [tilespmem:s16+$0xFFFFFEE0];
	_ =	sdelay $0x1  }
0x91: {  	v3 =	vld [tilespmem:s16+$0xFFFFFF00];
	_ =	sdelay $0x1  }
0x92: {  	v4 =	vld [tilespmem:s16+$0xFFFFFF20]  }
0x93: {  	v1 =	vadd.bf16 v2, v1  }
0x94: {  	v2 =	vld [tilespmem:s16+$0xFFFFFF40]  }
0x95: {  	v1 =	vadd.bf16 v3, v1  }
0x96: {  	v3 =	vld [tilespmem:s16+$0xFFFFFF60]  }
0x97: {  	v1 =	vadd.bf16 v4, v1  }
0x98: {  	v4 =	vld [tilespmem:s16+$0xFFFFFF80]  }
0x99: {  	v1 =	vadd.bf16 v2, v1  }
0x9a: {  	v2 =	vld [tilespmem:s16+$0xFFFFFFA0]  }
0x9b: {  	v1 =	vadd.bf16 v3, v1  }
0x9c: {  	v3 =	vld [tilespmem:s16+$0xFFFFFFC0]  }
0x9d: {  	v1 =	vadd.bf16 v4, v1  }
0x9e: {  	v4 =	vld [tilespmem:s16+$0xFFFFFFE0]  }
0x9f: {  	v1 =	vadd.bf16 v2, v1  }
0xa0: {  	v2 =	vld [tilespmem:s16+$0x0]  }
0xa1: {  	v1 =	vadd.bf16 v3, v1  }
0xa2: {  	v3 =	vld [tilespmem:s16+$0x20]  }
0xa3: {  	v1 =	vadd.bf16 v4, v1  }
0xa4: {  	v4 =	vld [tilespmem:s16+$0x40]  }
0xa5: {  	v1 =	vadd.bf16 v2, v1  }
0xa6: {  	v2 =	vld [tilespmem:s16+$0x60]  }
0xa7: {  	v1 =	vadd.bf16 v3, v1  }
0xa8: {  	v3 =	vld [tilespmem:s16+$0x80]  }
0xa9: {  	v1 =	vadd.bf16 v4, v1  }
0xaa: {  	v4 =	vld [tilespmem:s16+$0xA0]  }
0xab: {  	v1 =	vadd.bf16 v2, v1  }
0xac: {  	v2 =	vld [tilespmem:s16+$0xC0]  }
0xad: {  	v1 =	vadd.bf16 v3, v1  }
0xae: {  	v3 =	vld [tilespmem:s16+$0xE0]  }
0xaf: {  	v1 =	vadd.bf16 v4, v1  }
0xb0: {  	v4 =	vld [tilespmem:s16+$0x100]  }
0xb1: {  	v1 =	vadd.bf16 v2, v1  }
0xb2: {  	v2 =	vld [tilespmem:s16+$0x120]  }
0xb3: {  	v1 =	vadd.bf16 v3, v1;
	_ =	sdelay $0x1  }
0xb4: {  	s19 =	sshra.s32 s20, $0x2;
	v1 =	vadd.bf16 v4, v1  }
0xb5: {  	v3 =	vld [tilespmem:s19+$0x5580]  }
0xb6: {  	v1 =	vadd.bf16 v2, v1  }
0xb7: {  	v2 =	vld [tilespmem:s19+$0x5980]  }
0xb8: {  	v1 =	vmul.bf16 v0, v1;
	_ =	sdelay $0x1  }
0xb9: {  	v1 =	vadd.bf16 v1, v3;
	_ =	sdelay $0x1  }
0xba: {  	v1 =	vadd.bf16 v1, v2;
	_ =	sdelay $0x1  }
0xbb: {  	[tilespmem:s19+$0xB580] =	vst v1  }
0xbc: {  	v1 =	vld [tilespmem:s16+$0xFFFFFEF0]  }
0xbd: {  	v2 =	vld [tilespmem:s16+$0xFFFFFED0]  }
0xbe: {  	v3 =	vld [tilespmem:s16+$0xFFFFFF10];
	_ =	sdelay $0x1  }
0xbf: {  	v4 =	vld [tilespmem:s16+$0xFFFFFF30];
	_ =	sdelay $0x1  }
0xc0: {  	v1 =	vadd.bf16 v1, v2;
	v2 =	vld [tilespmem:s16+$0xFFFFFF50];
	_ =	sdelay $0x1  }
0xc1: {  	v1 =	vadd.bf16 v3, v1;
	v3 =	vld [tilespmem:s16+$0xFFFFFF70];
	_ =	sdelay $0x1  }
0xc2: {  	v1 =	vadd.bf16 v4, v1;
	v4 =	vld [tilespmem:s16+$0xFFFFFF90];
	_ =	sdelay $0x1  }
0xc3: {  	v1 =	vadd.bf16 v2, v1;
	v2 =	vld [tilespmem:s16+$0xFFFFFFB0];
	_ =	sdelay $0x1  }
0xc4: {  	v1 =	vadd.bf16 v3, v1;
	v3 =	vld [tilespmem:s16+$0xFFFFFFD0];
	_ =	sdelay $0x1  }
0xc5: {  	v1 =	vadd.bf16 v4, v1;
	v4 =	vld [tilespmem:s16+$0xFFFFFFF0];
	_ =	sdelay $0x1  }
0xc6: {  	v1 =	vadd.bf16 v2, v1;
	v2 =	vld [tilespmem:s16+$0x10];
	_ =	sdelay $0x1  }
0xc7: {  	v1 =	vadd.bf16 v3, v1;
	v3 =	vld [tilespmem:s16+$0x30];
	_ =	sdelay $0x1  }
0xc8: {  	v1 =	vadd.bf16 v4, v1;
	v4 =	vld [tilespmem:s16+$0x50];
	_ =	sdelay $0x1  }
0xc9: {  	v1 =	vadd.bf16 v2, v1;
	v2 =	vld [tilespmem:s16+$0x70];
	_ =	sdelay $0x1  }
0xca: {  	v1 =	vadd.bf16 v3, v1;
	v3 =	vld [tilespmem:s16+$0x90];
	_ =	sdelay $0x1  }
0xcb: {  	v1 =	vadd.bf16 v4, v1;
	v4 =	vld [tilespmem:s16+$0xB0];
	_ =	sdelay $0x1  }
0xcc: {  	v1 =	vadd.bf16 v2, v1;
	v2 =	vld [tilespmem:s16+$0xD0];
	_ =	sdelay $0x1  }
0xcd: {  	v1 =	vadd.bf16 v3, v1;
	v3 =	vld [tilespmem:s16+$0xF0];
	_ =	sdelay $0x1  }
0xce: {  	v1 =	vadd.bf16 v4, v1;
	v4 =	vld [tilespmem:s16+$0x110];
	_ =	sdelay $0x1  }
0xcf: {  	v1 =	vadd.bf16 v2, v1;
	v2 =	vld [tilespmem:s16+$0x130];
	_ =	sdelay $0x1  }
0xd0: {  	v1 =	vadd.bf16 v3, v1;
	_ =	sdelay $0x1  }
0xd1: {  	v1 =	vadd.bf16 v4, v1;
	v3 =	vld [tilespmem:s19+$0x5590];
	_ =	sdelay $0x1  }
0xd2: {  	v1 =	vadd.bf16 v2, v1;
	v2 =	vld [tilespmem:s19+$0x5990];
	_ =	sdelay $0x1  }
.Ltmp2:
0xd3: {  	v1 =	vmul.bf16 v0, v1;
	(pc) =	sbr.rel @p1 .LBB2_6-.Ltmp2, $3  }
0xd4: {  	_ = 	snop  }
0xd5: {  	v1 =	vadd.bf16 v1, v3;
	_ =	sdelay $0x1  }
0xd6: {  	v1 =	vadd.bf16 v1, v2  }
0xd7: {  	p1 =	sne.s32 s13, $0x18  }
.Ltmp3:
0xd8: {  	s16 =	sshll.u32 s13, $0xC;
	(pc) =	sbr.rel @p1 .LBB2_9-.Ltmp3, $4  }
0xd9: {  	s18 =	sadd.s32 s7, s16  }
0xda: {  	s18 =	sshrl.u32 s18, $0x4  }
0xdb: {  	[tilespmem:s19+$0xB590] =	vst v1;
	s18 =	sadd.s32 s6, s18  }
0xdc: {  	[hbm4b:s18+s3] =	stream.linear.scatter [tilespmem:s30], [sflag:$0x3], $0x400, $0x38;
	[tilespmem:$0xBD80] =	vst v63  }
.Ltmp4:
0xdd: {  	(pc) =	sbr.rel .LBB2_10-.Ltmp4, $4  }
0xde: {  	_ = 	snop  }
0xdf: {  	_ =	swait.ge [sflag:s31], $0x5800  }
0xe0: {  	[sflag:s31] =	ssyncset.done $0x0  }
0xe1: {  	[sflag:s31] =	ssyncadd.s32 $0xFFFFA800  }
.LBB2_9:
0xe2: {  	_ =	swait.ge [sflag:s14], $0x2C0  }
0xe3: {  	[sflag:s14] =	ssyncset.done $0x0  }
0xe4: {  	s18 =	simm.s32 $0x580;
	[sflag:s14] =	ssyncadd.s32 $0xFFFFFD40  }
0xe5: {  	[tilespmem:s18], [sflag:$0x1] =	stream.indirect.gather [hbm4b:s2+s15], $0x20, s3, s15, $0xb8;
	[tilespmem:$0xBD80] =	vst v63  }
0xe6: {  	s19 =	simm.s32 $0x5580  }
0xe7: {  	[tilespmem:s19], [sflag:$0x1] =	stream.indirect.gather [hbm4b:s5+s17], $0x20, s15, s17, $0xb8;
	[tilespmem:$0xBD80] =	vst v63  }
0xe8: {  	s20 =	simm.s32 $0x2A0;
	s19 =	simm.s32 $0x5980  }
0xe9: {  	[tilespmem:s19], [sflag:$0x1] =	stream.indirect.gather [hbm4b:s5+s17], $0x20, s20, s17, $0xb8;
	[tilespmem:$0xBD80] =	vst v63  }
.Ltmp5:
0xea: {  	s9 =	sadd.s32 s9, s11;
	(pc) =	sbr.rel @p0 .LBB2_11-.Ltmp5, $4  }
0xeb: {  	s9 =	smul.u32 $0x58, s9;
	_ =	swait.ge [sflag:s31], $0x5800  }
0xec: {  	[sflag:s31] =	ssyncset.done $0x0  }
0xed: {  	s9 =	sadd.s32 s4, s9;
	[sflag:s31] =	ssyncadd.s32 $0xFFFFA800  }
0xee: {  	[tilespmem:s21], [sflag:$0x6] =	stream.linear.gather [hbm4b:s9+s3], $0x2C0, $0x38;
	[tilespmem:$0xBD80] =	vst v63  }
.LBB2_10:
0xef: {  	_ =	swait.ge [sflag:s0], $0x400  }
0xf0: {  	[sflag:s0] =	ssyncset.done $0x0  }
0xf1: {  	[sflag:s0] =	ssyncadd.s32 $0xFFFFFC00  }
.LBB2_11:
0xf2: {  	s9 =	simm.s32 $0x0  }
0xf3: {  	v1 =	vld [tilespmem:s9+$0x5D80]  }
0xf4: {  	v2 =	vld [tilespmem:s9+$0x5DA0];
	_ =	sdelay $0x1  }
0xf5: {  	v3 =	vld [tilespmem:s9+$0x5DC0];
	_ =	sdelay $0x1  }
0xf6: {  	v4 =	vld [tilespmem:s9+$0x5DE0]  }
0xf7: {  	v1 =	vadd.bf16 v2, v1  }
0xf8: {  	v2 =	vld [tilespmem:s9+$0x5E00]  }
0xf9: {  	v1 =	vadd.bf16 v3, v1  }
0xfa: {  	v3 =	vld [tilespmem:s9+$0x5E20]  }
0xfb: {  	v1 =	vadd.bf16 v4, v1  }
0xfc: {  	v53 =	vld [tilespmem:s9+$0x5E40]  }
0xfd: {  	v1 =	vadd.bf16 v2, v1  }
0xfe: {  	v2 =	vld [tilespmem:s9+$0x5E60]  }
0xff: {  	v1 =	vadd.bf16 v3, v1  }
0x100: {  	v3 =	vld [tilespmem:s9+$0x5E80]  }
0x101: {  	v1 =	vadd.bf16 v53, v1  }
0x102: {  	v54 =	vld [tilespmem:s9+$0x5EA0]  }
0x103: {  	v1 =	vadd.bf16 v2, v1  }
0x104: {  	v2 =	vld [tilespmem:s9+$0x5EC0]  }
0x105: {  	v1 =	vadd.bf16 v3, v1  }
0x106: {  	v3 =	vld [tilespmem:s9+$0x5EE0]  }
0x107: {  	v1 =	vadd.bf16 v54, v1  }
0x108: {  	v55 =	vld [tilespmem:s9+$0x5F00]  }
0x109: {  	v1 =	vadd.bf16 v2, v1  }
0x10a: {  	v2 =	vld [tilespmem:s9+$0x5F20]  }
0x10b: {  	v1 =	vadd.bf16 v3, v1  }
0x10c: {  	v3 =	vld [tilespmem:s9+$0x5F40]  }
0x10d: {  	v1 =	vadd.bf16 v55, v1  }
0x10e: {  	v56 =	vld [tilespmem:s9+$0x5F60]  }
0x10f: {  	v1 =	vadd.bf16 v2, v1  }
0x110: {  	v2 =	vld [tilespmem:s9+$0x5F80]  }
0x111: {  	v1 =	vadd.bf16 v3, v1  }
0x112: {  	v3 =	vld [tilespmem:s9+$0x5FA0]  }
0x113: {  	v1 =	vadd.bf16 v56, v1  }
0x114: {  	v57 =	vld [tilespmem:s9+$0x5FC0]  }
0x115: {  	v1 =	vadd.bf16 v2, v1  }
0x116: {  	v2 =	vld [tilespmem:s9+$0x5FE0]  }
0x117: {  	v1 =	vadd.bf16 v3, v1;
	_ =	sdelay $0x1  }
0x118: {  	s19 =	simm.s32 $0x0;
	v1 =	vadd.bf16 v57, v1  }
0x119: {  	v3 =	vld [tilespmem:s19+$0xAD80]  }
0x11a: {  	v1 =	vadd.bf16 v2, v1  }
0x11b: {  	v2 =	vld [tilespmem:s19+$0xB180]  }
0x11c: {  	v1 =	vmul.bf16 v0, v1;
	_ =	sdelay $0x1  }
0x11d: {  	v1 =	vadd.bf16 v1, v3;
	_ =	sdelay $0x1  }
0x11e: {  	v1 =	vadd.bf16 v1, v2;
	_ =	sdelay $0x1  }
0x11f: {  	[tilespmem:s19+$0xB980] =	vst v1  }
0x120: {  	v1 =	vld [tilespmem:s9+$0x5D90]  }
0x121: {  	v2 =	vld [tilespmem:s9+$0x5DB0];
	_ =	sdelay $0x1  }
0x122: {  	v3 =	vld [tilespmem:s9+$0x5DD0];
	_ =	sdelay $0x1  }
0x123: {  	v58 =	vld [tilespmem:s9+$0x5DF0]  }
0x124: {  	v1 =	vadd.bf16 v2, v1  }
0x125: {  	v2 =	vld [tilespmem:s9+$0x5E10]  }
0x126: {  	v1 =	vadd.bf16 v3, v1  }
0x127: {  	v3 =	vld [tilespmem:s9+$0x5E30]  }
0x128: {  	v1 =	vadd.bf16 v58, v1  }
0x129: {  	v59 =	vld [tilespmem:s9+$0x5E50]  }
0x12a: {  	v1 =	vadd.bf16 v2, v1  }
0x12b: {  	v2 =	vld [tilespmem:s9+$0x5E70]  }
0x12c: {  	v1 =	vadd.bf16 v3, v1  }
0x12d: {  	v3 =	vld [tilespmem:s9+$0x5E90]  }
0x12e: {  	v1 =	vadd.bf16 v59, v1  }
0x12f: {  	v60 =	vld [tilespmem:s9+$0x5EB0]  }
0x130: {  	v1 =	vadd.bf16 v2, v1  }
0x131: {  	v2 =	vld [tilespmem:s9+$0x5ED0]  }
0x132: {  	v1 =	vadd.bf16 v3, v1  }
0x133: {  	v3 =	vld [tilespmem:s9+$0x5EF0]  }
0x134: {  	v1 =	vadd.bf16 v60, v1  }
0x135: {  	v61 =	vld [tilespmem:s9+$0x5F10]  }
0x136: {  	v1 =	vadd.bf16 v2, v1  }
0x137: {  	v2 =	vld [tilespmem:s9+$0x5F30]  }
0x138: {  	v1 =	vadd.bf16 v3, v1  }
0x139: {  	v3 =	vld [tilespmem:s9+$0x5F50]  }
0x13a: {  	v1 =	vadd.bf16 v61, v1  }
0x13b: {  	v62 =	vld [tilespmem:s9+$0x5F70]  }
0x13c: {  	v1 =	vadd.bf16 v2, v1  }
0x13d: {  	v2 =	vld [tilespmem:s9+$0x5F90]  }
0x13e: {  	v1 =	vadd.bf16 v3, v1  }
0x13f: {  	v3 =	vld [tilespmem:s9+$0x5FB0]  }
0x140: {  	v1 =	vadd.bf16 v62, v1  }
0x141: {  	v63 =	vld [tilespmem:s9+$0x5FD0]  }
0x142: {  	v1 =	vadd.bf16 v2, v1  }
0x143: {  	v2 =	vld [tilespmem:s9+$0x5FF0]  }
0x144: {  	v1 =	vadd.bf16 v3, v1;
	_ =	sdelay $0x1  }
0x145: {  	v1 =	vadd.bf16 v63, v1  }
0x146: {  	v3 =	vld [tilespmem:s19+$0xAD90]  }
0x147: {  	v1 =	vadd.bf16 v2, v1;
	_ =	sdelay $0x1  }
0x148: {  	v2 =	vmul.bf16 v0, v1;
	v1 =	vld [tilespmem:s19+$0xB190];
	_ =	sdelay $0x1  }
0x149: {  	s18 =	simm.s32 $0xA00;
	s9 =	simm.s32 $0x0;
	v2 =	vadd.bf16 v2, v3  }
.LBB2_12:
0x14a: {  	p0 =	sne.s32 s18, $0x13600  }
0x14b: {  	s9 =	sadd.s32 $0x80, s9;
	s20 =	smov.u32 s18;
	s18 =	sadd.s32 $0xA00, s18  }
0x14c: {  	v1 =	vadd.bf16 v2, v1  }
0x14d: {  	s20 =	sshra.s32 s20, $0x2  }
0x14e: {  	[tilespmem:s19+$0xB990] =	vst v1  }
0x14f: {  	v1 =	vld [tilespmem:s20+$0x5D80]  }
0x150: {  	v2 =	vld [tilespmem:s20+$0x5DA0];
	_ =	sdelay $0x1  }
0x151: {  	v3 =	vld [tilespmem:s20+$0x5DC0];
	_ =	sdelay $0x1  }
0x152: {  	v4 =	vld [tilespmem:s20+$0x5DE0]  }
0x153: {  	v1 =	vadd.bf16 v2, v1  }
0x154: {  	v2 =	vld [tilespmem:s20+$0x5E00]  }
0x155: {  	v1 =	vadd.bf16 v3, v1  }
0x156: {  	v3 =	vld [tilespmem:s20+$0x5E20]  }
0x157: {  	v1 =	vadd.bf16 v4, v1  }
0x158: {  	v4 =	vld [tilespmem:s20+$0x5E40]  }
0x159: {  	v1 =	vadd.bf16 v2, v1  }
0x15a: {  	v2 =	vld [tilespmem:s20+$0x5E60]  }
0x15b: {  	v1 =	vadd.bf16 v3, v1  }
0x15c: {  	v3 =	vld [tilespmem:s20+$0x5E80]  }
0x15d: {  	v1 =	vadd.bf16 v4, v1  }
0x15e: {  	v4 =	vld [tilespmem:s20+$0x5EA0]  }
0x15f: {  	v1 =	vadd.bf16 v2, v1  }
0x160: {  	v2 =	vld [tilespmem:s20+$0x5EC0]  }
0x161: {  	v1 =	vadd.bf16 v3, v1  }
0x162: {  	v3 =	vld [tilespmem:s20+$0x5EE0]  }
0x163: {  	v1 =	vadd.bf16 v4, v1  }
0x164: {  	v4 =	vld [tilespmem:s20+$0x5F00]  }
0x165: {  	v1 =	vadd.bf16 v2, v1  }
0x166: {  	v2 =	vld [tilespmem:s20+$0x5F20]  }
0x167: {  	v1 =	vadd.bf16 v3, v1  }
0x168: {  	v3 =	vld [tilespmem:s20+$0x5F40]  }
0x169: {  	v1 =	vadd.bf16 v4, v1  }
0x16a: {  	v4 =	vld [tilespmem:s20+$0x5F60]  }
0x16b: {  	v1 =	vadd.bf16 v2, v1  }
0x16c: {  	v2 =	vld [tilespmem:s20+$0x5F80]  }
0x16d: {  	v1 =	vadd.bf16 v3, v1  }
0x16e: {  	v3 =	vld [tilespmem:s20+$0x5FA0]  }
0x16f: {  	v1 =	vadd.bf16 v4, v1  }
0x170: {  	v4 =	vld [tilespmem:s20+$0x5FC0]  }
0x171: {  	v1 =	vadd.bf16 v2, v1  }
0x172: {  	v2 =	vld [tilespmem:s20+$0x5FE0]  }
0x173: {  	v1 =	vadd.bf16 v3, v1;
	_ =	sdelay $0x1  }
0x174: {  	s19 =	sshra.s32 s9, $0x2;
	v1 =	vadd.bf16 v4, v1  }
0x175: {  	v3 =	vld [tilespmem:s19+$0xAD80]  }
0x176: {  	v1 =	vadd.bf16 v2, v1  }
0x177: {  	v2 =	vld [tilespmem:s19+$0xB180]  }
0x178: {  	v1 =	vmul.bf16 v0, v1;
	_ =	sdelay $0x1  }
0x179: {  	v1 =	vadd.bf16 v1, v3;
	_ =	sdelay $0x1  }
0x17a: {  	v1 =	vadd.bf16 v1, v2;
	_ =	sdelay $0x1  }
0x17b: {  	[tilespmem:s19+$0xB980] =	vst v1  }
0x17c: {  	v1 =	vld [tilespmem:s20+$0x5D90]  }
0x17d: {  	v2 =	vld [tilespmem:s20+$0x5DB0];
	_ =	sdelay $0x1  }
0x17e: {  	v3 =	vld [tilespmem:s20+$0x5DD0]  }
0x17f: {  	v4 =	vld [tilespmem:s20+$0x5DF0];
	_ =	sdelay $0x1  }
0x180: {  	v1 =	vadd.bf16 v2, v1;
	v2 =	vld [tilespmem:s20+$0x5E10];
	_ =	sdelay $0x1  }
0x181: {  	v1 =	vadd.bf16 v3, v1;
	v3 =	vld [tilespmem:s20+$0x5E30];
	_ =	sdelay $0x1  }
0x182: {  	v1 =	vadd.bf16 v4, v1;
	v4 =	vld [tilespmem:s20+$0x5E50];
	_ =	sdelay $0x1  }
0x183: {  	v1 =	vadd.bf16 v2, v1;
	v2 =	vld [tilespmem:s20+$0x5E70];
	_ =	sdelay $0x1  }
0x184: {  	v1 =	vadd.bf16 v3, v1;
	v3 =	vld [tilespmem:s20+$0x5E90];
	_ =	sdelay $0x1  }
0x185: {  	v1 =	vadd.bf16 v4, v1;
	v4 =	vld [tilespmem:s20+$0x5EB0];
	_ =	sdelay $0x1  }
0x186: {  	v1 =	vadd.bf16 v2, v1;
	v2 =	vld [tilespmem:s20+$0x5ED0];
	_ =	sdelay $0x1  }
0x187: {  	v1 =	vadd.bf16 v3, v1;
	v3 =	vld [tilespmem:s20+$0x5EF0];
	_ =	sdelay $0x1  }
0x188: {  	v1 =	vadd.bf16 v4, v1;
	v4 =	vld [tilespmem:s20+$0x5F10];
	_ =	sdelay $0x1  }
0x189: {  	v1 =	vadd.bf16 v2, v1;
	v2 =	vld [tilespmem:s20+$0x5F30];
	_ =	sdelay $0x1  }
0x18a: {  	v1 =	vadd.bf16 v3, v1;
	v3 =	vld [tilespmem:s20+$0x5F50];
	_ =	sdelay $0x1  }
0x18b: {  	v1 =	vadd.bf16 v4, v1;
	v4 =	vld [tilespmem:s20+$0x5F70];
	_ =	sdelay $0x1  }
0x18c: {  	v1 =	vadd.bf16 v2, v1;
	v2 =	vld [tilespmem:s20+$0x5F90];
	_ =	sdelay $0x1  }
0x18d: {  	v1 =	vadd.bf16 v3, v1;
	v3 =	vld [tilespmem:s20+$0x5FB0];
	_ =	sdelay $0x1  }
0x18e: {  	v1 =	vadd.bf16 v4, v1;
	v4 =	vld [tilespmem:s20+$0x5FD0];
	_ =	sdelay $0x1  }
0x18f: {  	v1 =	vadd.bf16 v2, v1;
	v2 =	vld [tilespmem:s20+$0x5FF0];
	_ =	sdelay $0x1  }
0x190: {  	v1 =	vadd.bf16 v3, v1;
	_ =	sdelay $0x1  }
0x191: {  	v1 =	vadd.bf16 v4, v1;
	v3 =	vld [tilespmem:s19+$0xAD90];
	_ =	sdelay $0x1  }
.Ltmp6:
0x192: {  	v2 =	vadd.bf16 v2, v1;
	v1 =	vld [tilespmem:s19+$0xB190];
	(pc) =	sbr.rel @p0 .LBB2_12-.Ltmp6, $3  }
0x193: {  	_ = 	snop  }
0x194: {  	v2 =	vmul.bf16 v0, v2;
	_ =	sdelay $0x1  }
0x195: {  	v2 =	vadd.bf16 v2, v3  }
0x196: {  	s13 =	sadd.s32 $0x1, s13  }
0x197: {  	p0 =	sne.s32 s13, $0x19  }
.Ltmp7:
0x198: {  	_ = 	snop;
	(pc) =	sbr.rel @p0 .LBB2_2-.Ltmp7, $4  }
0x199: {  	s9 =	sadd.s32 s16, s12;
	v1 =	vadd.bf16 v2, v1  }
0x19a: {  	s9 =	sshrl.u32 s9, $0x4  }
0x19b: {  	s9 =	sadd.s32 s6, s9;
	[tilespmem:s19+$0xB990] =	vst v1  }
0x19c: {  	[hbm4b:s9+s3] =	stream.linear.scatter [tilespmem:s1], [sflag:$0x4], $0x400, $0x38;
	[tilespmem:$0xBD80] =	vst v63  }
0x19d: {  	_ =	swait.ge [sflag:s8], $0x400  }
0x19e: {  	[sflag:s8] =	ssyncset.done $0x0  }
0x19f: {  	[sflag:s8] =	ssyncadd.s32 $0xFFFFFC00  }
0x1a0: {  	_ =	swait.ge [sflag:s0], $0x400  }
0x1a1: {  	s13 =	rddreg [dreg:$0x6]  }
0x1a2: {  	s9 =	rddreg [dreg:$0x5];
	s13 =	sadd.s32 $0x1, s13  }
0x1a3: {  	p0 =	sne.s32 s13, s9  }
.Ltmp8:
0x1a4: {  	_ = 	snop;
	(pc) =	sbr.rel @p0 .LBB2_1-.Ltmp8, $3  }
0x1a5: {  	_ =	sdelay $0x1  }
0x1a6: {  	[sflag:s0] =	ssyncset.done $0x0  }
0x1a7: {  	[sflag:s0] =	ssyncadd.s32 $0xFFFFFC00  }
0x1a8: {  	_ =	sfence.sel $0x180000  }
0x1a9: {  	[bflag:$0x0] =	sbarrier.arrive $0xFFFF  }
0x1aa: {  	_ =	strace $0x90000047  }
0x1ab: {  	s0 =	stileid.u32;
	[bflag:$0x2] =	sbarrier.arrive $0xFFFF  }
0x1ac: {  	p0 =	sne.s32 s0, $0x0;
	s0 =	rddreg [dreg:$0x2]  }
0x1ad: {  	s0 =	sadd.s32 @!p0 $0x100000, s0  }
0x1ae: {  	[sflag:s0] =	ssyncadd.tile.s32 @!p0 $0x1;
	_ =	shalt  }
.Lfunc_end2:
_tile_overlayer_lowered:
.L_overlay_start_2:
0x1af: {  	(tag) =	ssettag $0x2  }
0x1b0: {  	s0 =	rddreg [dreg:$0x0];
	s2 =	stileid.u32  }
0x1b1: {  	s1 =	rddreg [dreg:$0x1];
	p0 =	sne.s32 s2, $0x0  }
0x1b2: {  	s3 =	rddreg [dreg:$0x2];
	[bflag:$0x3] =	sbarrier.arrive $0xFFFF;
	s2 =	simm.s32 @!p0 $0x1C07  }
0x1b3: {  	[timem:s3], [sflag:s2] =	dma.local @!p0 [hbm:s0], s1  }
0x1b4: {  	s0 =	simm.s32 @!p0 $0x7  }
0x1b5: {  	_ =	swait.ge @!p0 [sflag:s0], s1  }
0x1b6: {  	s1 =	ssub.s32 @!p0 $0x0, s1;
	[sflag:s0] =	ssyncset.done @!p0 $0x0  }
0x1b7: {  	[sflag:s0] =	ssyncadd.s32 @!p0 s1  }
0x1b8: {  	[bflag:$0x3] =	sbarrier.arrive $0xFFFF  }
0x1b9: {  	_ =	shalt  }

</sc_bundles>
